<compile_context>
chip_gen: v7x
topology: tpu7x:2x2x1
jax: 0.10.2.dev20260603
libtpu: 0.0.44.dev20260713+nightly
codegen_flags: <defaults>
</compile_context>

<pallas_src>
import functools

import jax
import jax.numpy as jnp
from jax import lax
from jax.experimental import pallas as pl
from jax.experimental.pallas import tpu as pltpu
from jax.experimental.pallas import tpu_sc as plsc

_NUM_CLASS = 100000
_D = 64
_B = 16384
_NC = 2
_NS = 16
_NW = _NC * _NS
_FPW = _D // _NW
_XCH = 4096
_NXCH = _B // _XCH
_LANES = 16
_UNROLL = 4

_XJOBS = [(p, q * _XCH) for p in range(_FPW) for q in range(_NXCH)]


def _sc_partials(xt, labels, ct):
    mesh = plsc.VectorSubcoreMesh(core_axis_name="c", subcore_axis_name="s")

    @functools.partial(
        pl.kernel,
        mesh=mesh,
        out_type=jax.ShapeDtypeStruct((_NW, _LANES), jnp.float32),
        scratch_types=[
            pltpu.VMEM((_NUM_CLASS,), jnp.float32),
            pltpu.VMEM((_B,), jnp.int32),
            pltpu.VMEM((_XCH,), jnp.float32),
            pltpu.VMEM((_XCH,), jnp.float32),
            pltpu.VMEM((_LANES,), jnp.float32),
            pltpu.SemaphoreType.DMA,
            pltpu.SemaphoreType.DMA,
            pltpu.SemaphoreType.DMA,
        ],
        compiler_params=pltpu.CompilerParams(
            use_tc_tiling_on_sc=True, needs_layout_passes=False
        ),
    )
    def body(
        xt_hbm, lab_hbm, ct_hbm, out_hbm,
        row_v, lab_v, xb0, xb1, acc_v, rsem, xsem, lsem,
    ):
        wid = lax.axis_index("s") * _NC + lax.axis_index("c")
        xb = (xb0, xb1)

        lcp = pltpu.async_copy(lab_hbm, lab_v, lsem)
        rcp = pltpu.async_copy(ct_hbm.at[wid * _FPW], row_v, rsem)
        xcp = [None] * len(_XJOBS)
        px0, qb0 = _XJOBS[0]
        xcp[0] = pltpu.async_copy(
            xt_hbm.at[wid * _FPW + px0, pl.ds(qb0, _XCH)], xb[0], xsem
        )
        lcp.wait()

        acc = jnp.zeros((_LANES,), jnp.float32)
        for p in range(_FPW):
            rcp.wait()
            for q in range(_NXCH):
                t = p * _NXCH + q
                xcp[t].wait()
                if t + 1 < len(_XJOBS):
                    pn, qbn = _XJOBS[t + 1]
                    xcp[t + 1] = pltpu.async_copy(
                        xt_hbm.at[wid * _FPW + pn, pl.ds(qbn, _XCH)],
                        xb[(t + 1) % 2],
                        xsem,
                    )
                xv_buf = xb[t % 2]
                qbase = q * _XCH

                def step(i, a, xv_buf=xv_buf, qbase=qbase):
                    for u in range(_UNROLL):
                        off = (i * _UNROLL + u) * _LANES
                        idx = lab_v[pl.ds(qbase + off, _LANES)]
                        g = plsc.load_gather(row_v, [idx])
                        d = g - xv_buf[pl.ds(off, _LANES)]
                        a = a + d * d
                    return a

                acc = lax.fori_loop(0, _XCH // (_UNROLL * _LANES), step, acc)
            if p + 1 < _FPW:
                rcp = pltpu.async_copy(ct_hbm.at[wid * _FPW + p + 1], row_v, rsem)

        acc_v[...] = acc
        pltpu.sync_copy(acc_v, out_hbm.at[wid])

    return body(xt, labels, ct)


def _final_reduce(partials):
    def body(p_ref, o_ref):
        o_ref[...] = jnp.sum(p_ref[...], keepdims=True).reshape(1, 1) * (1.0 / _B)

    return pl.pallas_call(
        body,
        out_shape=jax.ShapeDtypeStruct((1, 1), jnp.float32),
    )(partials)


def kernel(x, labels, centers):
    labels = labels.astype(jnp.int32)
    partials = _sc_partials(x.T, labels, centers.T)
    return _final_reduce(partials)[0, 0]

# --- scband reference (transcript-rebuilt; emitter-appended) ---
"""Pipeline reference for scband-center-loss-32263794327815 (READ-ONLY COPY).

The authoritative reference and input builder live on the scoring server;
editing this copy changes nothing except your own understanding.
"""

import jax, jax.numpy as jnp
import numpy as np

NUM_CLASS = 100000
NUM_FEATURE = 64
BATCH = 16384


def setup_inputs(seed: int = 0) -> dict:
    key = jax.random.key(seed)
    k_x, k_lab, k_c = jax.random.split(key, 3)
    x = jax.random.normal(k_x, (BATCH, NUM_FEATURE), dtype=jnp.float32)
    labels = jax.random.randint(k_lab, (BATCH,), 0, NUM_CLASS, dtype=jnp.int64 if jax.config.jax_enable_x64 else jnp.int32)
    centers = jax.random.normal(k_c, (NUM_CLASS, NUM_FEATURE), dtype=jnp.float32)
    return {"x": x, "labels": labels, "centers": centers}


def reference(x, labels, centers):
    # center = self.centers[labels]  -> gather rows of the centers table
    center = jnp.take(centers, labels, axis=0)
    # dist = (x - center).pow(2).sum(dim=-1)
    dist = jnp.sum((x - center) ** 2, axis=-1)
    # loss = torch.clamp(dist, min=1e-12, max=1e12).mean(dim=-1)
    loss = jnp.mean(jnp.clip(dist, 1e-12, 1000000000000.0), axis=-1)
    return loss

if __name__ == "__main__":
    import jax
    _d = setup_inputs()
    print(jax.jit(kernel)(*tuple(_d.values())))

</pallas_src>

<mosaic_0001>
#map = affine_map<(d0, d1) -> (0, 0)>
#map1 = affine_map<(d0, d1) -> (0)>
module attributes {stable_mosaic.version = 14 : i64} {
  func.func @body(%arg0: i32, %arg1: i32, %arg2: memref<64x16384xf32, #tpu.memory_space<hbm>>, %arg3: memref<16384xi32, #tpu.memory_space<hbm>>, %arg4: memref<64x100000xf32, #tpu.memory_space<hbm>>, %arg5: memref<32x16xf32, #tpu.memory_space<hbm>>, %arg6: memref<100000xf32, #tpu.memory_space<vmem>>, %arg7: memref<16384xi32, #tpu.memory_space<vmem>>, %arg8: memref<4096xf32, #tpu.memory_space<vmem>>, %arg9: memref<4096xf32, #tpu.memory_space<vmem>>, %arg10: memref<16xf32, #tpu.memory_space<vmem>>, %arg11: memref<!tpu.dma_semaphore, #tpu.memory_space<semaphore_mem>>, %arg12: memref<!tpu.dma_semaphore, #tpu.memory_space<semaphore_mem>>, %arg13: memref<!tpu.dma_semaphore, #tpu.memory_space<semaphore_mem>>) attributes {dimension_semantics = [#tpu.dimension_semantics<core_parallel>, #tpu.dimension_semantics<subcore_parallel>], iteration_bounds = array<i64: 2, 16>, scalar_prefetch = 0 : i64, scratch_operands = 8 : i64, tpu.core_type = #tpu.core_type<sc_vector_subcore>, window_params = [{transform_indices = #map}, {transform_indices = #map1}, {transform_indices = #map}, {transform_indices = #map}]} {
    %mul3A = arith.constant 2 : i32
    %mul3A_0 = arith.muli %arg1, %mul3A : i32
    %add3A = arith.addi %mul3A_0, %arg0 : i32
    tpu.enqueue_dma source(%arg3 : memref<16384xi32, #tpu.memory_space<hbm>>) target(%arg7 : memref<16384xi32, #tpu.memory_space<vmem>>) target_semaphore(%arg13 : memref<!tpu.dma_semaphore, #tpu.memory_space<semaphore_mem>>)
    %mul3A_1 = arith.constant 2 : i32
    %mul3A_2 = arith.muli %add3A, %mul3A_1 : i32
    %dma_start3A = arith.constant 0 : i32
    %dma_start3A_3 = tpu.memref_slice %arg4[%mul3A_2, %dma_start3A] : memref<64x100000xf32, #tpu.memory_space<hbm>> -> memref<1x100000xf32, #tpu.memory_space<hbm>>
    %dma_start3A_4 = tpu.memref_squeeze %dma_start3A_3 : memref<1x100000xf32, #tpu.memory_space<hbm>> -> memref<100000xf32, #tpu.memory_space<hbm>>
    %dma_start3A_5 = arith.constant 0 : i32
    %dma_start3A_6 = tpu.memref_slice %arg4[%mul3A_2, %dma_start3A_5] : memref<64x100000xf32, #tpu.memory_space<hbm>> -> memref<1x100000xf32, #tpu.memory_space<hbm>>
    %dma_start3A_7 = tpu.memref_squeeze %dma_start3A_6 : memref<1x100000xf32, #tpu.memory_space<hbm>> -> memref<100000xf32, #tpu.memory_space<hbm>>
    tpu.enqueue_dma source(%dma_start3A_7 : memref<100000xf32, #tpu.memory_space<hbm>>) target(%arg6 : memref<100000xf32, #tpu.memory_space<vmem>>) target_semaphore(%arg11 : memref<!tpu.dma_semaphore, #tpu.memory_space<semaphore_mem>>)
    %mul3A_8 = arith.constant 2 : i32
    %mul3A_9 = arith.muli %add3A, %mul3A_8 : i32
    %add3A_10 = arith.constant 0 : i32
    %add3A_11 = arith.addi %mul3A_9, %add3A_10 : i32
    %dma_start3A_12 = arith.constant 0 : i32
    %dma_start3A_13 = tpu.memref_slice %arg2[%add3A_11, %dma_start3A_12] : memref<64x16384xf32, #tpu.memory_space<hbm>> -> memref<1x4096xf32, #tpu.memory_space<hbm>>
    %dma_start3A_14 = tpu.memref_squeeze %dma_start3A_13 : memref<1x4096xf32, #tpu.memory_space<hbm>> -> memref<4096xf32, #tpu.memory_space<hbm>>
    %dma_start3A_15 = arith.constant 0 : i32
    %dma_start3A_16 = tpu.memref_slice %arg2[%add3A_11, %dma_start3A_15] : memref<64x16384xf32, #tpu.memory_space<hbm>> -> memref<1x4096xf32, #tpu.memory_space<hbm>>
    %dma_start3A_17 = tpu.memref_squeeze %dma_start3A_16 : memref<1x4096xf32, #tpu.memory_space<hbm>> -> memref<4096xf32, #tpu.memory_space<hbm>>
    tpu.enqueue_dma source(%dma_start3A_17 : memref<4096xf32, #tpu.memory_space<hbm>>) target(%arg8 : memref<4096xf32, #tpu.memory_space<vmem>>) target_semaphore(%arg12 : memref<!tpu.dma_semaphore, #tpu.memory_space<semaphore_mem>>)
    tpu.wait_dma2 semaphore(%arg13 : memref<!tpu.dma_semaphore, #tpu.memory_space<semaphore_mem>>) src(%arg3 : memref<16384xi32, #tpu.memory_space<hbm>>) dst(%arg7 : memref<16384xi32, #tpu.memory_space<vmem>>)
    %broadcast_in_dim3A = arith.constant 0.000000e+00 : f32
    %broadcast_in_dim3A_18 = vector.broadcast %broadcast_in_dim3A : f32 to vector<16xf32>
    %dma_wait3A = arith.constant 0 : i32
    %dma_wait3A_19 = tpu.memref_slice %arg4[%mul3A_2, %dma_wait3A] : memref<64x100000xf32, #tpu.memory_space<hbm>> -> memref<1x100000xf32, #tpu.memory_space<hbm>>
    %dma_wait3A_20 = tpu.memref_squeeze %dma_wait3A_19 : memref<1x100000xf32, #tpu.memory_space<hbm>> -> memref<100000xf32, #tpu.memory_space<hbm>>
    %dma_wait3A_21 = arith.constant 0 : i32
    %dma_wait3A_22 = tpu.memref_slice %arg4[%mul3A_2, %dma_wait3A_21] : memref<64x100000xf32, #tpu.memory_space<hbm>> -> memref<1x100000xf32, #tpu.memory_space<hbm>>
    %dma_wait3A_23 = tpu.memref_squeeze %dma_wait3A_22 : memref<1x100000xf32, #tpu.memory_space<hbm>> -> memref<100000xf32, #tpu.memory_space<hbm>>
    tpu.wait_dma2 semaphore(%arg11 : memref<!tpu.dma_semaphore, #tpu.memory_space<semaphore_mem>>) src(%dma_wait3A_23 : memref<100000xf32, #tpu.memory_space<hbm>>) dst(%arg6 : memref<100000xf32, #tpu.memory_space<vmem>>)
    %dma_wait3A_24 = arith.constant 0 : i32
    %dma_wait3A_25 = tpu.memref_slice %arg2[%add3A_11, %dma_wait3A_24] : memref<64x16384xf32, #tpu.memory_space<hbm>> -> memref<1x4096xf32, #tpu.memory_space<hbm>>
    %dma_wait3A_26 = tpu.memref_squeeze %dma_wait3A_25 : memref<1x4096xf32, #tpu.memory_space<hbm>> -> memref<4096xf32, #tpu.memory_space<hbm>>
    %dma_wait3A_27 = arith.constant 0 : i32
    %dma_wait3A_28 = tpu.memref_slice %arg2[%add3A_11, %dma_wait3A_27] : memref<64x16384xf32, #tpu.memory_space<hbm>> -> memref<1x4096xf32, #tpu.memory_space<hbm>>
    %dma_wait3A_29 = tpu.memref_squeeze %dma_wait3A_28 : memref<1x4096xf32, #tpu.memory_space<hbm>> -> memref<4096xf32, #tpu.memory_space<hbm>>
    tpu.wait_dma2 semaphore(%arg12 : memref<!tpu.dma_semaphore, #tpu.memory_space<semaphore_mem>>) src(%dma_wait3A_29 : memref<4096xf32, #tpu.memory_space<hbm>>) dst(%arg8 : memref<4096xf32, #tpu.memory_space<vmem>>)
    %mul3A_30 = arith.constant 2 : i32
    %mul3A_31 = arith.muli %add3A, %mul3A_30 : i32
    %add3A_32 = arith.constant 0 : i32
    %add3A_33 = arith.addi %mul3A_31, %add3A_32 : i32
    %dma_start3A_34 = arith.constant 4096 : i32
    %dma_start3A_35 = tpu.memref_slice %arg2[%add3A_33, %dma_start3A_34] : memref<64x16384xf32, #tpu.memory_space<hbm>> -> memref<1x4096xf32, #tpu.memory_space<hbm>>
    %dma_start3A_36 = tpu.memref_squeeze %dma_start3A_35 : memref<1x4096xf32, #tpu.memory_space<hbm>> -> memref<4096xf32, #tpu.memory_space<hbm>>
    %dma_start3A_37 = arith.constant 4096 : i32
    %dma_start3A_38 = tpu.memref_slice %arg2[%add3A_33, %dma_start3A_37] : memref<64x16384xf32, #tpu.memory_space<hbm>> -> memref<1x4096xf32, #tpu.memory_space<hbm>>
    %dma_start3A_39 = tpu.memref_squeeze %dma_start3A_38 : memref<1x4096xf32, #tpu.memory_space<hbm>> -> memref<4096xf32, #tpu.memory_space<hbm>>
    tpu.enqueue_dma source(%dma_start3A_39 : memref<4096xf32, #tpu.memory_space<hbm>>) target(%arg9 : memref<4096xf32, #tpu.memory_space<vmem>>) target_semaphore(%arg12 : memref<!tpu.dma_semaphore, #tpu.memory_space<semaphore_mem>>)
    %scan3A = arith.constant 0 : i32
    %scan3A_40 = arith.constant 64 : i32
    %scan3A_41 = arith.addi %scan3A, %scan3A_40 : i32
    %scan3A_42 = arith.constant 1 : i32
    %scan3A_43 = scf.for %scan3A_208 = %scan3A to %scan3A_41 step %scan3A_42 iter_args(%scan3A_209 = %broadcast_in_dim3A_18) -> (vector<16xf32>)  : i32 {
      %mul3A_210 = arith.constant 4 : i32
      %mul3A_211 = arith.muli %scan3A_208, %mul3A_210 : i32
      %add3A_212 = arith.constant 0 : i32
      %add3A_213 = arith.addi %mul3A_211, %add3A_212 : i32
      %mul3A_214 = arith.constant 16 : i32
      %mul3A_215 = arith.muli %add3A_213, %mul3A_214 : i32
      %add3A_216 = arith.constant 0 : i32
      %add3A_217 = arith.addi %add3A_216, %mul3A_215 : i32
      %get3A = arith.index_cast %add3A_217 : i32 to index
      %get3A_218 = tpu.vector_load %arg7[%get3A] {strides = array<i32>} : memref<16384xi32, #tpu.memory_space<vmem>>, vector<16xi32>,
      %gather3A = tpu.vector_load_idx %arg6[%get3A_218] : memref<100000xf32, #tpu.memory_space<vmem>>[vector<16xi32>], vector<16xf32>,
      %get3A_219 = arith.index_cast %mul3A_215 : i32 to index
      %get3A_220 = tpu.vector_load %arg8[%get3A_219] {strides = array<i32>} : memref<4096xf32, #tpu.memory_space<vmem>>, vector<16xf32>,
      %sub3A = arith.subf %gather3A, %get3A_220 : vector<16xf32>
      %mul3A_221 = arith.mulf %sub3A, %sub3A : vector<16xf32>
      %add3A_222 = arith.addf %scan3A_209, %mul3A_221 : vector<16xf32>
      %mul3A_223 = arith.constant 4 : i32
      %mul3A_224 = arith.muli %scan3A_208, %mul3A_223 : i32
      %add3A_225 = arith.constant 1 : i32
      %add3A_226 = arith.addi %mul3A_224, %add3A_225 : i32
      %mul3A_227 = arith.constant 16 : i32
      %mul3A_228 = arith.muli %add3A_226, %mul3A_227 : i32
      %add3A_229 = arith.constant 0 : i32
      %add3A_230 = arith.addi %add3A_229, %mul3A_228 : i32
      %get3A_231 = arith.index_cast %add3A_230 : i32 to index
      %get3A_232 = tpu.vector_load %arg7[%get3A_231] {strides = array<i32>} : memref<16384xi32, #tpu.memory_space<vmem>>, vector<16xi32>,
      %gather3A_233 = tpu.vector_load_idx %arg6[%get3A_232] : memref<100000xf32, #tpu.memory_space<vmem>>[vector<16xi32>], vector<16xf32>,
      %get3A_234 = arith.index_cast %mul3A_228 : i32 to index
      %get3A_235 = tpu.vector_load %arg8[%get3A_234] {strides = array<i32>} : memref<4096xf32, #tpu.memory_space<vmem>>, vector<16xf32>,
      %sub3A_236 = arith.subf %gather3A_233, %get3A_235 : vector<16xf32>
      %mul3A_237 = arith.mulf %sub3A_236, %sub3A_236 : vector<16xf32>
      %add3A_238 = arith.addf %add3A_222, %mul3A_237 : vector<16xf32>
      %mul3A_239 = arith.constant 4 : i32
      %mul3A_240 = arith.muli %scan3A_208, %mul3A_239 : i32
      %add3A_241 = arith.constant 2 : i32
      %add3A_242 = arith.addi %mul3A_240, %add3A_241 : i32
      %mul3A_243 = arith.constant 16 : i32
      %mul3A_244 = arith.muli %add3A_242, %mul3A_243 : i32
      %add3A_245 = arith.constant 0 : i32
      %add3A_246 = arith.addi %add3A_245, %mul3A_244 : i32
      %get3A_247 = arith.index_cast %add3A_246 : i32 to index
      %get3A_248 = tpu.vector_load %arg7[%get3A_247] {strides = array<i32>} : memref<16384xi32, #tpu.memory_space<vmem>>, vector<16xi32>,
      %gather3A_249 = tpu.vector_load_idx %arg6[%get3A_248] : memref<100000xf32, #tpu.memory_space<vmem>>[vector<16xi32>], vector<16xf32>,
      %get3A_250 = arith.index_cast %mul3A_244 : i32 to index
      %get3A_251 = tpu.vector_load %arg8[%get3A_250] {strides = array<i32>} : memref<4096xf32, #tpu.memory_space<vmem>>, vector<16xf32>,
      %sub3A_252 = arith.subf %gather3A_249, %get3A_251 : vector<16xf32>
      %mul3A_253 = arith.mulf %sub3A_252, %sub3A_252 : vector<16xf32>
      %add3A_254 = arith.addf %add3A_238, %mul3A_253 : vector<16xf32>
      %mul3A_255 = arith.constant 4 : i32
      %mul3A_256 = arith.muli %scan3A_208, %mul3A_255 : i32
      %add3A_257 = arith.constant 3 : i32
      %add3A_258 = arith.addi %mul3A_256, %add3A_257 : i32
      %mul3A_259 = arith.constant 16 : i32
      %mul3A_260 = arith.muli %add3A_258, %mul3A_259 : i32
      %add3A_261 = arith.constant 0 : i32
      %add3A_262 = arith.addi %add3A_261, %mul3A_260 : i32
      %get3A_263 = arith.index_cast %add3A_262 : i32 to index
      %get3A_264 = tpu.vector_load %arg7[%get3A_263] {strides = array<i32>} : memref<16384xi32, #tpu.memory_space<vmem>>, vector<16xi32>,
      %gather3A_265 = tpu.vector_load_idx %arg6[%get3A_264] : memref<100000xf32, #tpu.memory_space<vmem>>[vector<16xi32>], vector<16xf32>,
      %get3A_266 = arith.index_cast %mul3A_260 : i32 to index
      %get3A_267 = tpu.vector_load %arg8[%get3A_266] {strides = array<i32>} : memref<4096xf32, #tpu.memory_space<vmem>>, vector<16xf32>,
      %sub3A_268 = arith.subf %gather3A_265, %get3A_267 : vector<16xf32>
      %mul3A_269 = arith.mulf %sub3A_268, %sub3A_268 : vector<16xf32>
      %add3A_270 = arith.addf %add3A_254, %mul3A_269 : vector<16xf32>
      scf.yield %add3A_270 : vector<16xf32>
    }
    %scan3A_44 = arith.constant 64 : i32
    %dma_wait3A_45 = arith.constant 4096 : i32
    %dma_wait3A_46 = tpu.memref_slice %arg2[%add3A_33, %dma_wait3A_45] : memref<64x16384xf32, #tpu.memory_space<hbm>> -> memref<1x4096xf32, #tpu.memory_space<hbm>>
    %dma_wait3A_47 = tpu.memref_squeeze %dma_wait3A_46 : memref<1x4096xf32, #tpu.memory_space<hbm>> -> memref<4096xf32, #tpu.memory_space<hbm>>
    %dma_wait3A_48 = arith.constant 4096 : i32
    %dma_wait3A_49 = tpu.memref_slice %arg2[%add3A_33, %dma_wait3A_48] : memref<64x16384xf32, #tpu.memory_space<hbm>> -> memref<1x4096xf32, #tpu.memory_space<hbm>>
    %dma_wait3A_50 = tpu.memref_squeeze %dma_wait3A_49 : memref<1x4096xf32, #tpu.memory_space<hbm>> -> memref<4096xf32, #tpu.memory_space<hbm>>
    tpu.wait_dma2 semaphore(%arg12 : memref<!tpu.dma_semaphore, #tpu.memory_space<semaphore_mem>>) src(%dma_wait3A_50 : memref<4096xf32, #tpu.memory_space<hbm>>) dst(%arg9 : memref<4096xf32, #tpu.memory_space<vmem>>)
    %mul3A_51 = arith.constant 2 : i32
    %mul3A_52 = arith.muli %add3A, %mul3A_51 : i32
    %add3A_53 = arith.constant 0 : i32
    %add3A_54 = arith.addi %mul3A_52, %add3A_53 : i32
    %dma_start3A_55 = arith.constant 8192 : i32
    %dma_start3A_56 = tpu.memref_slice %arg2[%add3A_54, %dma_start3A_55] : memref<64x16384xf32, #tpu.memory_space<hbm>> -> memref<1x4096xf32, #tpu.memory_space<hbm>>
    %dma_start3A_57 = tpu.memref_squeeze %dma_start3A_56 : memref<1x4096xf32, #tpu.memory_space<hbm>> -> memref<4096xf32, #tpu.memory_space<hbm>>
    %dma_start3A_58 = arith.constant 8192 : i32
    %dma_start3A_59 = tpu.memref_slice %arg2[%add3A_54, %dma_start3A_58] : memref<64x16384xf32, #tpu.memory_space<hbm>> -> memref<1x4096xf32, #tpu.memory_space<hbm>>
    %dma_start3A_60 = tpu.memref_squeeze %dma_start3A_59 : memref<1x4096xf32, #tpu.memory_space<hbm>> -> memref<4096xf32, #tpu.memory_space<hbm>>
    tpu.enqueue_dma source(%dma_start3A_60 : memref<4096xf32, #tpu.memory_space<hbm>>) target(%arg8 : memref<4096xf32, #tpu.memory_space<vmem>>) target_semaphore(%arg12 : memref<!tpu.dma_semaphore, #tpu.memory_space<semaphore_mem>>)
    %scan3A_61 = arith.constant 0 : i32
    %scan3A_62 = arith.constant 64 : i32
    %scan3A_63 = arith.addi %scan3A_61, %scan3A_62 : i32
    %scan3A_64 = arith.constant 1 : i32
    %scan3A_65 = scf.for %scan3A_208 = %scan3A_61 to %scan3A_63 step %scan3A_64 iter_args(%scan3A_209 = %scan3A_43) -> (vector<16xf32>)  : i32 {
      %mul3A_210 = arith.constant 4 : i32
      %mul3A_211 = arith.muli %scan3A_208, %mul3A_210 : i32
      %add3A_212 = arith.constant 0 : i32
      %add3A_213 = arith.addi %mul3A_211, %add3A_212 : i32
      %mul3A_214 = arith.constant 16 : i32
      %mul3A_215 = arith.muli %add3A_213, %mul3A_214 : i32
      %add3A_216 = arith.constant 4096 : i32
      %add3A_217 = arith.addi %add3A_216, %mul3A_215 : i32
      %get3A = arith.index_cast %add3A_217 : i32 to index
      %get3A_218 = tpu.vector_load %arg7[%get3A] {strides = array<i32>} : memref<16384xi32, #tpu.memory_space<vmem>>, vector<16xi32>,
      %gather3A = tpu.vector_load_idx %arg6[%get3A_218] : memref<100000xf32, #tpu.memory_space<vmem>>[vector<16xi32>], vector<16xf32>,
      %get3A_219 = arith.index_cast %mul3A_215 : i32 to index
      %get3A_220 = tpu.vector_load %arg9[%get3A_219] {strides = array<i32>} : memref<4096xf32, #tpu.memory_space<vmem>>, vector<16xf32>,
      %sub3A = arith.subf %gather3A, %get3A_220 : vector<16xf32>
      %mul3A_221 = arith.mulf %sub3A, %sub3A : vector<16xf32>
      %add3A_222 = arith.addf %scan3A_209, %mul3A_221 : vector<16xf32>
      %mul3A_223 = arith.constant 4 : i32
      %mul3A_224 = arith.muli %scan3A_208, %mul3A_223 : i32
      %add3A_225 = arith.constant 1 : i32
      %add3A_226 = arith.addi %mul3A_224, %add3A_225 : i32
      %mul3A_227 = arith.constant 16 : i32
      %mul3A_228 = arith.muli %add3A_226, %mul3A_227 : i32
      %add3A_229 = arith.constant 4096 : i32
      %add3A_230 = arith.addi %add3A_229, %mul3A_228 : i32
      %get3A_231 = arith.index_cast %add3A_230 : i32 to index
      %get3A_232 = tpu.vector_load %arg7[%get3A_231] {strides = array<i32>} : memref<16384xi32, #tpu.memory_space<vmem>>, vector<16xi32>,
      %gather3A_233 = tpu.vector_load_idx %arg6[%get3A_232] : memref<100000xf32, #tpu.memory_space<vmem>>[vector<16xi32>], vector<16xf32>,
      %get3A_234 = arith.index_cast %mul3A_228 : i32 to index
      %get3A_235 = tpu.vector_load %arg9[%get3A_234] {strides = array<i32>} : memref<4096xf32, #tpu.memory_space<vmem>>, vector<16xf32>,
      %sub3A_236 = arith.subf %gather3A_233, %get3A_235 : vector<16xf32>
      %mul3A_237 = arith.mulf %sub3A_236, %sub3A_236 : vector<16xf32>
      %add3A_238 = arith.addf %add3A_222, %mul3A_237 : vector<16xf32>
      %mul3A_239 = arith.constant 4 : i32
      %mul3A_240 = arith.muli %scan3A_208, %mul3A_239 : i32
      %add3A_241 = arith.constant 2 : i32
      %add3A_242 = arith.addi %mul3A_240, %add3A_241 : i32
      %mul3A_243 = arith.constant 16 : i32
      %mul3A_244 = arith.muli %add3A_242, %mul3A_243 : i32
      %add3A_245 = arith.constant 4096 : i32
      %add3A_246 = arith.addi %add3A_245, %mul3A_244 : i32
      %get3A_247 = arith.index_cast %add3A_246 : i32 to index
      %get3A_248 = tpu.vector_load %arg7[%get3A_247] {strides = array<i32>} : memref<16384xi32, #tpu.memory_space<vmem>>, vector<16xi32>,
      %gather3A_249 = tpu.vector_load_idx %arg6[%get3A_248] : memref<100000xf32, #tpu.memory_space<vmem>>[vector<16xi32>], vector<16xf32>,
      %get3A_250 = arith.index_cast %mul3A_244 : i32 to index
      %get3A_251 = tpu.vector_load %arg9[%get3A_250] {strides = array<i32>} : memref<4096xf32, #tpu.memory_space<vmem>>, vector<16xf32>,
      %sub3A_252 = arith.subf %gather3A_249, %get3A_251 : vector<16xf32>
      %mul3A_253 = arith.mulf %sub3A_252, %sub3A_252 : vector<16xf32>
      %add3A_254 = arith.addf %add3A_238, %mul3A_253 : vector<16xf32>
      %mul3A_255 = arith.constant 4 : i32
      %mul3A_256 = arith.muli %scan3A_208, %mul3A_255 : i32
      %add3A_257 = arith.constant 3 : i32
      %add3A_258 = arith.addi %mul3A_256, %add3A_257 : i32
      %mul3A_259 = arith.constant 16 : i32
      %mul3A_260 = arith.muli %add3A_258, %mul3A_259 : i32
      %add3A_261 = arith.constant 4096 : i32
      %add3A_262 = arith.addi %add3A_261, %mul3A_260 : i32
      %get3A_263 = arith.index_cast %add3A_262 : i32 to index
      %get3A_264 = tpu.vector_load %arg7[%get3A_263] {strides = array<i32>} : memref<16384xi32, #tpu.memory_space<vmem>>, vector<16xi32>,
      %gather3A_265 = tpu.vector_load_idx %arg6[%get3A_264] : memref<100000xf32, #tpu.memory_space<vmem>>[vector<16xi32>], vector<16xf32>,
      %get3A_266 = arith.index_cast %mul3A_260 : i32 to index
      %get3A_267 = tpu.vector_load %arg9[%get3A_266] {strides = array<i32>} : memref<4096xf32, #tpu.memory_space<vmem>>, vector<16xf32>,
      %sub3A_268 = arith.subf %gather3A_265, %get3A_267 : vector<16xf32>
      %mul3A_269 = arith.mulf %sub3A_268, %sub3A_268 : vector<16xf32>
      %add3A_270 = arith.addf %add3A_254, %mul3A_269 : vector<16xf32>
      scf.yield %add3A_270 : vector<16xf32>
    }
    %scan3A_66 = arith.constant 64 : i32
    %dma_wait3A_67 = arith.constant 8192 : i32
    %dma_wait3A_68 = tpu.memref_slice %arg2[%add3A_54, %dma_wait3A_67] : memref<64x16384xf32, #tpu.memory_space<hbm>> -> memref<1x4096xf32, #tpu.memory_space<hbm>>
    %dma_wait3A_69 = tpu.memref_squeeze %dma_wait3A_68 : memref<1x4096xf32, #tpu.memory_space<hbm>> -> memref<4096xf32, #tpu.memory_space<hbm>>
    %dma_wait3A_70 = arith.constant 8192 : i32
    %dma_wait3A_71 = tpu.memref_slice %arg2[%add3A_54, %dma_wait3A_70] : memref<64x16384xf32, #tpu.memory_space<hbm>> -> memref<1x4096xf32, #tpu.memory_space<hbm>>
    %dma_wait3A_72 = tpu.memref_squeeze %dma_wait3A_71 : memref<1x4096xf32, #tpu.memory_space<hbm>> -> memref<4096xf32, #tpu.memory_space<hbm>>
    tpu.wait_dma2 semaphore(%arg12 : memref<!tpu.dma_semaphore, #tpu.memory_space<semaphore_mem>>) src(%dma_wait3A_72 : memref<4096xf32, #tpu.memory_space<hbm>>) dst(%arg8 : memref<4096xf32, #tpu.memory_space<vmem>>)
    %mul3A_73 = arith.constant 2 : i32
    %mul3A_74 = arith.muli %add3A, %mul3A_73 : i32
    %add3A_75 = arith.constant 0 : i32
    %add3A_76 = arith.addi %mul3A_74, %add3A_75 : i32
    %dma_start3A_77 = arith.constant 12288 : i32
    %dma_start3A_78 = tpu.memref_slice %arg2[%add3A_76, %dma_start3A_77] : memref<64x16384xf32, #tpu.memory_space<hbm>> -> memref<1x4096xf32, #tpu.memory_space<hbm>>
    %dma_start3A_79 = tpu.memref_squeeze %dma_start3A_78 : memref<1x4096xf32, #tpu.memory_space<hbm>> -> memref<4096xf32, #tpu.memory_space<hbm>>
    %dma_start3A_80 = arith.constant 12288 : i32
    %dma_start3A_81 = tpu.memref_slice %arg2[%add3A_76, %dma_start3A_80] : memref<64x16384xf32, #tpu.memory_space<hbm>> -> memref<1x4096xf32, #tpu.memory_space<hbm>>
    %dma_start3A_82 = tpu.memref_squeeze %dma_start3A_81 : memref<1x4096xf32, #tpu.memory_space<hbm>> -> memref<4096xf32, #tpu.memory_space<hbm>>
    tpu.enqueue_dma source(%dma_start3A_82 : memref<4096xf32, #tpu.memory_space<hbm>>) target(%arg9 : memref<4096xf32, #tpu.memory_space<vmem>>) target_semaphore(%arg12 : memref<!tpu.dma_semaphore, #tpu.memory_space<semaphore_mem>>)
    %scan3A_83 = arith.constant 0 : i32
    %scan3A_84 = arith.constant 64 : i32
    %scan3A_85 = arith.addi %scan3A_83, %scan3A_84 : i32
    %scan3A_86 = arith.constant 1 : i32
    %scan3A_87 = scf.for %scan3A_208 = %scan3A_83 to %scan3A_85 step %scan3A_86 iter_args(%scan3A_209 = %scan3A_65) -> (vector<16xf32>)  : i32 {
      %mul3A_210 = arith.constant 4 : i32
      %mul3A_211 = arith.muli %scan3A_208, %mul3A_210 : i32
      %add3A_212 = arith.constant 0 : i32
      %add3A_213 = arith.addi %mul3A_211, %add3A_212 : i32
      %mul3A_214 = arith.constant 16 : i32
      %mul3A_215 = arith.muli %add3A_213, %mul3A_214 : i32
      %add3A_216 = arith.constant 8192 : i32
      %add3A_217 = arith.addi %add3A_216, %mul3A_215 : i32
      %get3A = arith.index_cast %add3A_217 : i32 to index
      %get3A_218 = tpu.vector_load %arg7[%get3A] {strides = array<i32>} : memref<16384xi32, #tpu.memory_space<vmem>>, vector<16xi32>,
      %gather3A = tpu.vector_load_idx %arg6[%get3A_218] : memref<100000xf32, #tpu.memory_space<vmem>>[vector<16xi32>], vector<16xf32>,
      %get3A_219 = arith.index_cast %mul3A_215 : i32 to index
      %get3A_220 = tpu.vector_load %arg8[%get3A_219] {strides = array<i32>} : memref<4096xf32, #tpu.memory_space<vmem>>, vector<16xf32>,
      %sub3A = arith.subf %gather3A, %get3A_220 : vector<16xf32>
      %mul3A_221 = arith.mulf %sub3A, %sub3A : vector<16xf32>
      %add3A_222 = arith.addf %scan3A_209, %mul3A_221 : vector<16xf32>
      %mul3A_223 = arith.constant 4 : i32
      %mul3A_224 = arith.muli %scan3A_208, %mul3A_223 : i32
      %add3A_225 = arith.constant 1 : i32
      %add3A_226 = arith.addi %mul3A_224, %add3A_225 : i32
      %mul3A_227 = arith.constant 16 : i32
      %mul3A_228 = arith.muli %add3A_226, %mul3A_227 : i32
      %add3A_229 = arith.constant 8192 : i32
      %add3A_230 = arith.addi %add3A_229, %mul3A_228 : i32
      %get3A_231 = arith.index_cast %add3A_230 : i32 to index
      %get3A_232 = tpu.vector_load %arg7[%get3A_231] {strides = array<i32>} : memref<16384xi32, #tpu.memory_space<vmem>>, vector<16xi32>,
      %gather3A_233 = tpu.vector_load_idx %arg6[%get3A_232] : memref<100000xf32, #tpu.memory_space<vmem>>[vector<16xi32>], vector<16xf32>,
      %get3A_234 = arith.index_cast %mul3A_228 : i32 to index
      %get3A_235 = tpu.vector_load %arg8[%get3A_234] {strides = array<i32>} : memref<4096xf32, #tpu.memory_space<vmem>>, vector<16xf32>,
      %sub3A_236 = arith.subf %gather3A_233, %get3A_235 : vector<16xf32>
      %mul3A_237 = arith.mulf %sub3A_236, %sub3A_236 : vector<16xf32>
      %add3A_238 = arith.addf %add3A_222, %mul3A_237 : vector<16xf32>
      %mul3A_239 = arith.constant 4 : i32
      %mul3A_240 = arith.muli %scan3A_208, %mul3A_239 : i32
      %add3A_241 = arith.constant 2 : i32
      %add3A_242 = arith.addi %mul3A_240, %add3A_241 : i32
      %mul3A_243 = arith.constant 16 : i32
      %mul3A_244 = arith.muli %add3A_242, %mul3A_243 : i32
      %add3A_245 = arith.constant 8192 : i32
      %add3A_246 = arith.addi %add3A_245, %mul3A_244 : i32
      %get3A_247 = arith.index_cast %add3A_246 : i32 to index
      %get3A_248 = tpu.vector_load %arg7[%get3A_247] {strides = array<i32>} : memref<16384xi32, #tpu.memory_space<vmem>>, vector<16xi32>,
      %gather3A_249 = tpu.vector_load_idx %arg6[%get3A_248] : memref<100000xf32, #tpu.memory_space<vmem>>[vector<16xi32>], vector<16xf32>,
      %get3A_250 = arith.index_cast %mul3A_244 : i32 to index
      %get3A_251 = tpu.vector_load %arg8[%get3A_250] {strides = array<i32>} : memref<4096xf32, #tpu.memory_space<vmem>>, vector<16xf32>,
      %sub3A_252 = arith.subf %gather3A_249, %get3A_251 : vector<16xf32>
      %mul3A_253 = arith.mulf %sub3A_252, %sub3A_252 : vector<16xf32>
      %add3A_254 = arith.addf %add3A_238, %mul3A_253 : vector<16xf32>
      %mul3A_255 = arith.constant 4 : i32
      %mul3A_256 = arith.muli %scan3A_208, %mul3A_255 : i32
      %add3A_257 = arith.constant 3 : i32
      %add3A_258 = arith.addi %mul3A_256, %add3A_257 : i32
      %mul3A_259 = arith.constant 16 : i32
      %mul3A_260 = arith.muli %add3A_258, %mul3A_259 : i32
      %add3A_261 = arith.constant 8192 : i32
      %add3A_262 = arith.addi %add3A_261, %mul3A_260 : i32
      %get3A_263 = arith.index_cast %add3A_262 : i32 to index
      %get3A_264 = tpu.vector_load %arg7[%get3A_263] {strides = array<i32>} : memref<16384xi32, #tpu.memory_space<vmem>>, vector<16xi32>,
      %gather3A_265 = tpu.vector_load_idx %arg6[%get3A_264] : memref<100000xf32, #tpu.memory_space<vmem>>[vector<16xi32>], vector<16xf32>,
      %get3A_266 = arith.index_cast %mul3A_260 : i32 to index
      %get3A_267 = tpu.vector_load %arg8[%get3A_266] {strides = array<i32>} : memref<4096xf32, #tpu.memory_space<vmem>>, vector<16xf32>,
      %sub3A_268 = arith.subf %gather3A_265, %get3A_267 : vector<16xf32>
      %mul3A_269 = arith.mulf %sub3A_268, %sub3A_268 : vector<16xf32>
      %add3A_270 = arith.addf %add3A_254, %mul3A_269 : vector<16xf32>
      scf.yield %add3A_270 : vector<16xf32>
    }
    %scan3A_88 = arith.constant 64 : i32
    %dma_wait3A_89 = arith.constant 12288 : i32
    %dma_wait3A_90 = tpu.memref_slice %arg2[%add3A_76, %dma_wait3A_89] : memref<64x16384xf32, #tpu.memory_space<hbm>> -> memref<1x4096xf32, #tpu.memory_space<hbm>>
    %dma_wait3A_91 = tpu.memref_squeeze %dma_wait3A_90 : memref<1x4096xf32, #tpu.memory_space<hbm>> -> memref<4096xf32, #tpu.memory_space<hbm>>
    %dma_wait3A_92 = arith.constant 12288 : i32
    %dma_wait3A_93 = tpu.memref_slice %arg2[%add3A_76, %dma_wait3A_92] : memref<64x16384xf32, #tpu.memory_space<hbm>> -> memref<1x4096xf32, #tpu.memory_space<hbm>>
    %dma_wait3A_94 = tpu.memref_squeeze %dma_wait3A_93 : memref<1x4096xf32, #tpu.memory_space<hbm>> -> memref<4096xf32, #tpu.memory_space<hbm>>
    tpu.wait_dma2 semaphore(%arg12 : memref<!tpu.dma_semaphore, #tpu.memory_space<semaphore_mem>>) src(%dma_wait3A_94 : memref<4096xf32, #tpu.memory_space<hbm>>) dst(%arg9 : memref<4096xf32, #tpu.memory_space<vmem>>)
    %mul3A_95 = arith.constant 2 : i32
    %mul3A_96 = arith.muli %add3A, %mul3A_95 : i32
    %add3A_97 = arith.constant 1 : i32
    %add3A_98 = arith.addi %mul3A_96, %add3A_97 : i32
    %dma_start3A_99 = arith.constant 0 : i32
    %dma_start3A_100 = tpu.memref_slice %arg2[%add3A_98, %dma_start3A_99] : memref<64x16384xf32, #tpu.memory_space<hbm>> -> memref<1x4096xf32, #tpu.memory_space<hbm>>
    %dma_start3A_101 = tpu.memref_squeeze %dma_start3A_100 : memref<1x4096xf32, #tpu.memory_space<hbm>> -> memref<4096xf32, #tpu.memory_space<hbm>>
    %dma_start3A_102 = arith.constant 0 : i32
    %dma_start3A_103 = tpu.memref_slice %arg2[%add3A_98, %dma_start3A_102] : memref<64x16384xf32, #tpu.memory_space<hbm>> -> memref<1x4096xf32, #tpu.memory_space<hbm>>
    %dma_start3A_104 = tpu.memref_squeeze %dma_start3A_103 : memref<1x4096xf32, #tpu.memory_space<hbm>> -> memref<4096xf32, #tpu.memory_space<hbm>>
    tpu.enqueue_dma source(%dma_start3A_104 : memref<4096xf32, #tpu.memory_space<hbm>>) target(%arg8 : memref<4096xf32, #tpu.memory_space<vmem>>) target_semaphore(%arg12 : memref<!tpu.dma_semaphore, #tpu.memory_space<semaphore_mem>>)
    %scan3A_105 = arith.constant 0 : i32
    %scan3A_106 = arith.constant 64 : i32
    %scan3A_107 = arith.addi %scan3A_105, %scan3A_106 : i32
    %scan3A_108 = arith.constant 1 : i32
    %scan3A_109 = scf.for %scan3A_208 = %scan3A_105 to %scan3A_107 step %scan3A_108 iter_args(%scan3A_209 = %scan3A_87) -> (vector<16xf32>)  : i32 {
      %mul3A_210 = arith.constant 4 : i32
      %mul3A_211 = arith.muli %scan3A_208, %mul3A_210 : i32
      %add3A_212 = arith.constant 0 : i32
      %add3A_213 = arith.addi %mul3A_211, %add3A_212 : i32
      %mul3A_214 = arith.constant 16 : i32
      %mul3A_215 = arith.muli %add3A_213, %mul3A_214 : i32
      %add3A_216 = arith.constant 12288 : i32
      %add3A_217 = arith.addi %add3A_216, %mul3A_215 : i32
      %get3A = arith.index_cast %add3A_217 : i32 to index
      %get3A_218 = tpu.vector_load %arg7[%get3A] {strides = array<i32>} : memref<16384xi32, #tpu.memory_space<vmem>>, vector<16xi32>,
      %gather3A = tpu.vector_load_idx %arg6[%get3A_218] : memref<100000xf32, #tpu.memory_space<vmem>>[vector<16xi32>], vector<16xf32>,
      %get3A_219 = arith.index_cast %mul3A_215 : i32 to index
      %get3A_220 = tpu.vector_load %arg9[%get3A_219] {strides = array<i32>} : memref<4096xf32, #tpu.memory_space<vmem>>, vector<16xf32>,
      %sub3A = arith.subf %gather3A, %get3A_220 : vector<16xf32>
      %mul3A_221 = arith.mulf %sub3A, %sub3A : vector<16xf32>
      %add3A_222 = arith.addf %scan3A_209, %mul3A_221 : vector<16xf32>
      %mul3A_223 = arith.constant 4 : i32
      %mul3A_224 = arith.muli %scan3A_208, %mul3A_223 : i32
      %add3A_225 = arith.constant 1 : i32
      %add3A_226 = arith.addi %mul3A_224, %add3A_225 : i32
      %mul3A_227 = arith.constant 16 : i32
      %mul3A_228 = arith.muli %add3A_226, %mul3A_227 : i32
      %add3A_229 = arith.constant 12288 : i32
      %add3A_230 = arith.addi %add3A_229, %mul3A_228 : i32
      %get3A_231 = arith.index_cast %add3A_230 : i32 to index
      %get3A_232 = tpu.vector_load %arg7[%get3A_231] {strides = array<i32>} : memref<16384xi32, #tpu.memory_space<vmem>>, vector<16xi32>,
      %gather3A_233 = tpu.vector_load_idx %arg6[%get3A_232] : memref<100000xf32, #tpu.memory_space<vmem>>[vector<16xi32>], vector<16xf32>,
      %get3A_234 = arith.index_cast %mul3A_228 : i32 to index
      %get3A_235 = tpu.vector_load %arg9[%get3A_234] {strides = array<i32>} : memref<4096xf32, #tpu.memory_space<vmem>>, vector<16xf32>,
      %sub3A_236 = arith.subf %gather3A_233, %get3A_235 : vector<16xf32>
      %mul3A_237 = arith.mulf %sub3A_236, %sub3A_236 : vector<16xf32>
      %add3A_238 = arith.addf %add3A_222, %mul3A_237 : vector<16xf32>
      %mul3A_239 = arith.constant 4 : i32
      %mul3A_240 = arith.muli %scan3A_208, %mul3A_239 : i32
      %add3A_241 = arith.constant 2 : i32
      %add3A_242 = arith.addi %mul3A_240, %add3A_241 : i32
      %mul3A_243 = arith.constant 16 : i32
      %mul3A_244 = arith.muli %add3A_242, %mul3A_243 : i32
      %add3A_245 = arith.constant 12288 : i32
      %add3A_246 = arith.addi %add3A_245, %mul3A_244 : i32
      %get3A_247 = arith.index_cast %add3A_246 : i32 to index
      %get3A_248 = tpu.vector_load %arg7[%get3A_247] {strides = array<i32>} : memref<16384xi32, #tpu.memory_space<vmem>>, vector<16xi32>,
      %gather3A_249 = tpu.vector_load_idx %arg6[%get3A_248] : memref<100000xf32, #tpu.memory_space<vmem>>[vector<16xi32>], vector<16xf32>,
      %get3A_250 = arith.index_cast %mul3A_244 : i32 to index
      %get3A_251 = tpu.vector_load %arg9[%get3A_250] {strides = array<i32>} : memref<4096xf32, #tpu.memory_space<vmem>>, vector<16xf32>,
      %sub3A_252 = arith.subf %gather3A_249, %get3A_251 : vector<16xf32>
      %mul3A_253 = arith.mulf %sub3A_252, %sub3A_252 : vector<16xf32>
      %add3A_254 = arith.addf %add3A_238, %mul3A_253 : vector<16xf32>
      %mul3A_255 = arith.constant 4 : i32
      %mul3A_256 = arith.muli %scan3A_208, %mul3A_255 : i32
      %add3A_257 = arith.constant 3 : i32
      %add3A_258 = arith.addi %mul3A_256, %add3A_257 : i32
      %mul3A_259 = arith.constant 16 : i32
      %mul3A_260 = arith.muli %add3A_258, %mul3A_259 : i32
      %add3A_261 = arith.constant 12288 : i32
      %add3A_262 = arith.addi %add3A_261, %mul3A_260 : i32
      %get3A_263 = arith.index_cast %add3A_262 : i32 to index
      %get3A_264 = tpu.vector_load %arg7[%get3A_263] {strides = array<i32>} : memref<16384xi32, #tpu.memory_space<vmem>>, vector<16xi32>,
      %gather3A_265 = tpu.vector_load_idx %arg6[%get3A_264] : memref<100000xf32, #tpu.memory_space<vmem>>[vector<16xi32>], vector<16xf32>,
      %get3A_266 = arith.index_cast %mul3A_260 : i32 to index
      %get3A_267 = tpu.vector_load %arg9[%get3A_266] {strides = array<i32>} : memref<4096xf32, #tpu.memory_space<vmem>>, vector<16xf32>,
      %sub3A_268 = arith.subf %gather3A_265, %get3A_267 : vector<16xf32>
      %mul3A_269 = arith.mulf %sub3A_268, %sub3A_268 : vector<16xf32>
      %add3A_270 = arith.addf %add3A_254, %mul3A_269 : vector<16xf32>
      scf.yield %add3A_270 : vector<16xf32>
    }
    %scan3A_110 = arith.constant 64 : i32
    %mul3A_111 = arith.constant 2 : i32
    %mul3A_112 = arith.muli %add3A, %mul3A_111 : i32
    %add3A_113 = arith.constant 0 : i32
    %add3A_114 = arith.addi %mul3A_112, %add3A_113 : i32
    %add3A_115 = arith.constant 1 : i32
    %add3A_116 = arith.addi %add3A_114, %add3A_115 : i32
    %dma_start3A_117 = arith.constant 0 : i32
    %dma_start3A_118 = tpu.memref_slice %arg4[%add3A_116, %dma_start3A_117] : memref<64x100000xf32, #tpu.memory_space<hbm>> -> memref<1x100000xf32, #tpu.memory_space<hbm>>
    %dma_start3A_119 = tpu.memref_squeeze %dma_start3A_118 : memref<1x100000xf32, #tpu.memory_space<hbm>> -> memref<100000xf32, #tpu.memory_space<hbm>>
    %dma_start3A_120 = arith.constant 0 : i32
    %dma_start3A_121 = tpu.memref_slice %arg4[%add3A_116, %dma_start3A_120] : memref<64x100000xf32, #tpu.memory_space<hbm>> -> memref<1x100000xf32, #tpu.memory_space<hbm>>
    %dma_start3A_122 = tpu.memref_squeeze %dma_start3A_121 : memref<1x100000xf32, #tpu.memory_space<hbm>> -> memref<100000xf32, #tpu.memory_space<hbm>>
    tpu.enqueue_dma source(%dma_start3A_122 : memref<100000xf32, #tpu.memory_space<hbm>>) target(%arg6 : memref<100000xf32, #tpu.memory_space<vmem>>) target_semaphore(%arg11 : memref<!tpu.dma_semaphore, #tpu.memory_space<semaphore_mem>>)
    %dma_wait3A_123 = arith.constant 0 : i32
    %dma_wait3A_124 = tpu.memref_slice %arg4[%add3A_116, %dma_wait3A_123] : memref<64x100000xf32, #tpu.memory_space<hbm>> -> memref<1x100000xf32, #tpu.memory_space<hbm>>
    %dma_wait3A_125 = tpu.memref_squeeze %dma_wait3A_124 : memref<1x100000xf32, #tpu.memory_space<hbm>> -> memref<100000xf32, #tpu.memory_space<hbm>>
    %dma_wait3A_126 = arith.constant 0 : i32
    %dma_wait3A_127 = tpu.memref_slice %arg4[%add3A_116, %dma_wait3A_126] : memref<64x100000xf32, #tpu.memory_space<hbm>> -> memref<1x100000xf32, #tpu.memory_space<hbm>>
    %dma_wait3A_128 = tpu.memref_squeeze %dma_wait3A_127 : memref<1x100000xf32, #tpu.memory_space<hbm>> -> memref<100000xf32, #tpu.memory_space<hbm>>
    tpu.wait_dma2 semaphore(%arg11 : memref<!tpu.dma_semaphore, #tpu.memory_space<semaphore_mem>>) src(%dma_wait3A_128 : memref<100000xf32, #tpu.memory_space<hbm>>) dst(%arg6 : memref<100000xf32, #tpu.memory_space<vmem>>)
    %dma_wait3A_129 = arith.constant 0 : i32
    %dma_wait3A_130 = tpu.memref_slice %arg2[%add3A_98, %dma_wait3A_129] : memref<64x16384xf32, #tpu.memory_space<hbm>> -> memref<1x4096xf32, #tpu.memory_space<hbm>>
    %dma_wait3A_131 = tpu.memref_squeeze %dma_wait3A_130 : memref<1x4096xf32, #tpu.memory_space<hbm>> -> memref<4096xf32, #tpu.memory_space<hbm>>
    %dma_wait3A_132 = arith.constant 0 : i32
    %dma_wait3A_133 = tpu.memref_slice %arg2[%add3A_98, %dma_wait3A_132] : memref<64x16384xf32, #tpu.memory_space<hbm>> -> memref<1x4096xf32, #tpu.memory_space<hbm>>
    %dma_wait3A_134 = tpu.memref_squeeze %dma_wait3A_133 : memref<1x4096xf32, #tpu.memory_space<hbm>> -> memref<4096xf32, #tpu.memory_space<hbm>>
    tpu.wait_dma2 semaphore(%arg12 : memref<!tpu.dma_semaphore, #tpu.memory_space<semaphore_mem>>) src(%dma_wait3A_134 : memref<4096xf32, #tpu.memory_space<hbm>>) dst(%arg8 : memref<4096xf32, #tpu.memory_space<vmem>>)
    %mul3A_135 = arith.constant 2 : i32
    %mul3A_136 = arith.muli %add3A, %mul3A_135 : i32
    %add3A_137 = arith.constant 1 : i32
    %add3A_138 = arith.addi %mul3A_136, %add3A_137 : i32
    %dma_start3A_139 = arith.constant 4096 : i32
    %dma_start3A_140 = tpu.memref_slice %arg2[%add3A_138, %dma_start3A_139] : memref<64x16384xf32, #tpu.memory_space<hbm>> -> memref<1x4096xf32, #tpu.memory_space<hbm>>
    %dma_start3A_141 = tpu.memref_squeeze %dma_start3A_140 : memref<1x4096xf32, #tpu.memory_space<hbm>> -> memref<4096xf32, #tpu.memory_space<hbm>>
    %dma_start3A_142 = arith.constant 4096 : i32
    %dma_start3A_143 = tpu.memref_slice %arg2[%add3A_138, %dma_start3A_142] : memref<64x16384xf32, #tpu.memory_space<hbm>> -> memref<1x4096xf32, #tpu.memory_space<hbm>>
    %dma_start3A_144 = tpu.memref_squeeze %dma_start3A_143 : memref<1x4096xf32, #tpu.memory_space<hbm>> -> memref<4096xf32, #tpu.memory_space<hbm>>
    tpu.enqueue_dma source(%dma_start3A_144 : memref<4096xf32, #tpu.memory_space<hbm>>) target(%arg9 : memref<4096xf32, #tpu.memory_space<vmem>>) target_semaphore(%arg12 : memref<!tpu.dma_semaphore, #tpu.memory_space<semaphore_mem>>)
    %scan3A_145 = arith.constant 0 : i32
    %scan3A_146 = arith.constant 64 : i32
    %scan3A_147 = arith.addi %scan3A_145, %scan3A_146 : i32
    %scan3A_148 = arith.constant 1 : i32
    %scan3A_149 = scf.for %scan3A_208 = %scan3A_145 to %scan3A_147 step %scan3A_148 iter_args(%scan3A_209 = %scan3A_109) -> (vector<16xf32>)  : i32 {
      %mul3A_210 = arith.constant 4 : i32
      %mul3A_211 = arith.muli %scan3A_208, %mul3A_210 : i32
      %add3A_212 = arith.constant 0 : i32
      %add3A_213 = arith.addi %mul3A_211, %add3A_212 : i32
      %mul3A_214 = arith.constant 16 : i32
      %mul3A_215 = arith.muli %add3A_213, %mul3A_214 : i32
      %add3A_216 = arith.constant 0 : i32
      %add3A_217 = arith.addi %add3A_216, %mul3A_215 : i32
      %get3A = arith.index_cast %add3A_217 : i32 to index
      %get3A_218 = tpu.vector_load %arg7[%get3A] {strides = array<i32>} : memref<16384xi32, #tpu.memory_space<vmem>>, vector<16xi32>,
      %gather3A = tpu.vector_load_idx %arg6[%get3A_218] : memref<100000xf32, #tpu.memory_space<vmem>>[vector<16xi32>], vector<16xf32>,
      %get3A_219 = arith.index_cast %mul3A_215 : i32 to index
      %get3A_220 = tpu.vector_load %arg8[%get3A_219] {strides = array<i32>} : memref<4096xf32, #tpu.memory_space<vmem>>, vector<16xf32>,
      %sub3A = arith.subf %gather3A, %get3A_220 : vector<16xf32>
      %mul3A_221 = arith.mulf %sub3A, %sub3A : vector<16xf32>
      %add3A_222 = arith.addf %scan3A_209, %mul3A_221 : vector<16xf32>
      %mul3A_223 = arith.constant 4 : i32
      %mul3A_224 = arith.muli %scan3A_208, %mul3A_223 : i32
      %add3A_225 = arith.constant 1 : i32
      %add3A_226 = arith.addi %mul3A_224, %add3A_225 : i32
      %mul3A_227 = arith.constant 16 : i32
      %mul3A_228 = arith.muli %add3A_226, %mul3A_227 : i32
      %add3A_229 = arith.constant 0 : i32
      %add3A_230 = arith.addi %add3A_229, %mul3A_228 : i32
      %get3A_231 = arith.index_cast %add3A_230 : i32 to index
      %get3A_232 = tpu.vector_load %arg7[%get3A_231] {strides = array<i32>} : memref<16384xi32, #tpu.memory_space<vmem>>, vector<16xi32>,
      %gather3A_233 = tpu.vector_load_idx %arg6[%get3A_232] : memref<100000xf32, #tpu.memory_space<vmem>>[vector<16xi32>], vector<16xf32>,
      %get3A_234 = arith.index_cast %mul3A_228 : i32 to index
      %get3A_235 = tpu.vector_load %arg8[%get3A_234] {strides = array<i32>} : memref<4096xf32, #tpu.memory_space<vmem>>, vector<16xf32>,
      %sub3A_236 = arith.subf %gather3A_233, %get3A_235 : vector<16xf32>
      %mul3A_237 = arith.mulf %sub3A_236, %sub3A_236 : vector<16xf32>
      %add3A_238 = arith.addf %add3A_222, %mul3A_237 : vector<16xf32>
      %mul3A_239 = arith.constant 4 : i32
      %mul3A_240 = arith.muli %scan3A_208, %mul3A_239 : i32
      %add3A_241 = arith.constant 2 : i32
      %add3A_242 = arith.addi %mul3A_240, %add3A_241 : i32
      %mul3A_243 = arith.constant 16 : i32
      %mul3A_244 = arith.muli %add3A_242, %mul3A_243 : i32
      %add3A_245 = arith.constant 0 : i32
      %add3A_246 = arith.addi %add3A_245, %mul3A_244 : i32
      %get3A_247 = arith.index_cast %add3A_246 : i32 to index
      %get3A_248 = tpu.vector_load %arg7[%get3A_247] {strides = array<i32>} : memref<16384xi32, #tpu.memory_space<vmem>>, vector<16xi32>,
      %gather3A_249 = tpu.vector_load_idx %arg6[%get3A_248] : memref<100000xf32, #tpu.memory_space<vmem>>[vector<16xi32>], vector<16xf32>,
      %get3A_250 = arith.index_cast %mul3A_244 : i32 to index
      %get3A_251 = tpu.vector_load %arg8[%get3A_250] {strides = array<i32>} : memref<4096xf32, #tpu.memory_space<vmem>>, vector<16xf32>,
      %sub3A_252 = arith.subf %gather3A_249, %get3A_251 : vector<16xf32>
      %mul3A_253 = arith.mulf %sub3A_252, %sub3A_252 : vector<16xf32>
      %add3A_254 = arith.addf %add3A_238, %mul3A_253 : vector<16xf32>
      %mul3A_255 = arith.constant 4 : i32
      %mul3A_256 = arith.muli %scan3A_208, %mul3A_255 : i32
      %add3A_257 = arith.constant 3 : i32
      %add3A_258 = arith.addi %mul3A_256, %add3A_257 : i32
      %mul3A_259 = arith.constant 16 : i32
      %mul3A_260 = arith.muli %add3A_258, %mul3A_259 : i32
      %add3A_261 = arith.constant 0 : i32
      %add3A_262 = arith.addi %add3A_261, %mul3A_260 : i32
      %get3A_263 = arith.index_cast %add3A_262 : i32 to index
      %get3A_264 = tpu.vector_load %arg7[%get3A_263] {strides = array<i32>} : memref<16384xi32, #tpu.memory_space<vmem>>, vector<16xi32>,
      %gather3A_265 = tpu.vector_load_idx %arg6[%get3A_264] : memref<100000xf32, #tpu.memory_space<vmem>>[vector<16xi32>], vector<16xf32>,
      %get3A_266 = arith.index_cast %mul3A_260 : i32 to index
      %get3A_267 = tpu.vector_load %arg8[%get3A_266] {strides = array<i32>} : memref<4096xf32, #tpu.memory_space<vmem>>, vector<16xf32>,
      %sub3A_268 = arith.subf %gather3A_265, %get3A_267 : vector<16xf32>
      %mul3A_269 = arith.mulf %sub3A_268, %sub3A_268 : vector<16xf32>
      %add3A_270 = arith.addf %add3A_254, %mul3A_269 : vector<16xf32>
      scf.yield %add3A_270 : vector<16xf32>
    }
    %scan3A_150 = arith.constant 64 : i32
    %dma_wait3A_151 = arith.constant 4096 : i32
    %dma_wait3A_152 = tpu.memref_slice %arg2[%add3A_138, %dma_wait3A_151] : memref<64x16384xf32, #tpu.memory_space<hbm>> -> memref<1x4096xf32, #tpu.memory_space<hbm>>
    %dma_wait3A_153 = tpu.memref_squeeze %dma_wait3A_152 : memref<1x4096xf32, #tpu.memory_space<hbm>> -> memref<4096xf32, #tpu.memory_space<hbm>>
    %dma_wait3A_154 = arith.constant 4096 : i32
    %dma_wait3A_155 = tpu.memref_slice %arg2[%add3A_138, %dma_wait3A_154] : memref<64x16384xf32, #tpu.memory_space<hbm>> -> memref<1x4096xf32, #tpu.memory_space<hbm>>
    %dma_wait3A_156 = tpu.memref_squeeze %dma_wait3A_155 : memref<1x4096xf32, #tpu.memory_space<hbm>> -> memref<4096xf32, #tpu.memory_space<hbm>>
    tpu.wait_dma2 semaphore(%arg12 : memref<!tpu.dma_semaphore, #tpu.memory_space<semaphore_mem>>) src(%dma_wait3A_156 : memref<4096xf32, #tpu.memory_space<hbm>>) dst(%arg9 : memref<4096xf32, #tpu.memory_space<vmem>>)
    %mul3A_157 = arith.constant 2 : i32
    %mul3A_158 = arith.muli %add3A, %mul3A_157 : i32
    %add3A_159 = arith.constant 1 : i32
    %add3A_160 = arith.addi %mul3A_158, %add3A_159 : i32
    %dma_start3A_161 = arith.constant 8192 : i32
    %dma_start3A_162 = tpu.memref_slice %arg2[%add3A_160, %dma_start3A_161] : memref<64x16384xf32, #tpu.memory_space<hbm>> -> memref<1x4096xf32, #tpu.memory_space<hbm>>
    %dma_start3A_163 = tpu.memref_squeeze %dma_start3A_162 : memref<1x4096xf32, #tpu.memory_space<hbm>> -> memref<4096xf32, #tpu.memory_space<hbm>>
    %dma_start3A_164 = arith.constant 8192 : i32
    %dma_start3A_165 = tpu.memref_slice %arg2[%add3A_160, %dma_start3A_164] : memref<64x16384xf32, #tpu.memory_space<hbm>> -> memref<1x4096xf32, #tpu.memory_space<hbm>>
    %dma_start3A_166 = tpu.memref_squeeze %dma_start3A_165 : memref<1x4096xf32, #tpu.memory_space<hbm>> -> memref<4096xf32, #tpu.memory_space<hbm>>
    tpu.enqueue_dma source(%dma_start3A_166 : memref<4096xf32, #tpu.memory_space<hbm>>) target(%arg8 : memref<4096xf32, #tpu.memory_space<vmem>>) target_semaphore(%arg12 : memref<!tpu.dma_semaphore, #tpu.memory_space<semaphore_mem>>)
    %scan3A_167 = arith.constant 0 : i32
    %scan3A_168 = arith.constant 64 : i32
    %scan3A_169 = arith.addi %scan3A_167, %scan3A_168 : i32
    %scan3A_170 = arith.constant 1 : i32
    %scan3A_171 = scf.for %scan3A_208 = %scan3A_167 to %scan3A_169 step %scan3A_170 iter_args(%scan3A_209 = %scan3A_149) -> (vector<16xf32>)  : i32 {
      %mul3A_210 = arith.constant 4 : i32
      %mul3A_211 = arith.muli %scan3A_208, %mul3A_210 : i32
      %add3A_212 = arith.constant 0 : i32
      %add3A_213 = arith.addi %mul3A_211, %add3A_212 : i32
      %mul3A_214 = arith.constant 16 : i32
      %mul3A_215 = arith.muli %add3A_213, %mul3A_214 : i32
      %add3A_216 = arith.constant 4096 : i32
      %add3A_217 = arith.addi %add3A_216, %mul3A_215 : i32
      %get3A = arith.index_cast %add3A_217 : i32 to index
      %get3A_218 = tpu.vector_load %arg7[%get3A] {strides = array<i32>} : memref<16384xi32, #tpu.memory_space<vmem>>, vector<16xi32>,
      %gather3A = tpu.vector_load_idx %arg6[%get3A_218] : memref<100000xf32, #tpu.memory_space<vmem>>[vector<16xi32>], vector<16xf32>,
      %get3A_219 = arith.index_cast %mul3A_215 : i32 to index
      %get3A_220 = tpu.vector_load %arg9[%get3A_219] {strides = array<i32>} : memref<4096xf32, #tpu.memory_space<vmem>>, vector<16xf32>,
      %sub3A = arith.subf %gather3A, %get3A_220 : vector<16xf32>
      %mul3A_221 = arith.mulf %sub3A, %sub3A : vector<16xf32>
      %add3A_222 = arith.addf %scan3A_209, %mul3A_221 : vector<16xf32>
      %mul3A_223 = arith.constant 4 : i32
      %mul3A_224 = arith.muli %scan3A_208, %mul3A_223 : i32
      %add3A_225 = arith.constant 1 : i32
      %add3A_226 = arith.addi %mul3A_224, %add3A_225 : i32
      %mul3A_227 = arith.constant 16 : i32
      %mul3A_228 = arith.muli %add3A_226, %mul3A_227 : i32
      %add3A_229 = arith.constant 4096 : i32
      %add3A_230 = arith.addi %add3A_229, %mul3A_228 : i32
      %get3A_231 = arith.index_cast %add3A_230 : i32 to index
      %get3A_232 = tpu.vector_load %arg7[%get3A_231] {strides = array<i32>} : memref<16384xi32, #tpu.memory_space<vmem>>, vector<16xi32>,
      %gather3A_233 = tpu.vector_load_idx %arg6[%get3A_232] : memref<100000xf32, #tpu.memory_space<vmem>>[vector<16xi32>], vector<16xf32>,
      %get3A_234 = arith.index_cast %mul3A_228 : i32 to index
      %get3A_235 = tpu.vector_load %arg9[%get3A_234] {strides = array<i32>} : memref<4096xf32, #tpu.memory_space<vmem>>, vector<16xf32>,
      %sub3A_236 = arith.subf %gather3A_233, %get3A_235 : vector<16xf32>
      %mul3A_237 = arith.mulf %sub3A_236, %sub3A_236 : vector<16xf32>
      %add3A_238 = arith.addf %add3A_222, %mul3A_237 : vector<16xf32>
      %mul3A_239 = arith.constant 4 : i32
      %mul3A_240 = arith.muli %scan3A_208, %mul3A_239 : i32
      %add3A_241 = arith.constant 2 : i32
      %add3A_242 = arith.addi %mul3A_240, %add3A_241 : i32
      %mul3A_243 = arith.constant 16 : i32
      %mul3A_244 = arith.muli %add3A_242, %mul3A_243 : i32
      %add3A_245 = arith.constant 4096 : i32
      %add3A_246 = arith.addi %add3A_245, %mul3A_244 : i32
      %get3A_247 = arith.index_cast %add3A_246 : i32 to index
      %get3A_248 = tpu.vector_load %arg7[%get3A_247] {strides = array<i32>} : memref<16384xi32, #tpu.memory_space<vmem>>, vector<16xi32>,
      %gather3A_249 = tpu.vector_load_idx %arg6[%get3A_248] : memref<100000xf32, #tpu.memory_space<vmem>>[vector<16xi32>], vector<16xf32>,
      %get3A_250 = arith.index_cast %mul3A_244 : i32 to index
      %get3A_251 = tpu.vector_load %arg9[%get3A_250] {strides = array<i32>} : memref<4096xf32, #tpu.memory_space<vmem>>, vector<16xf32>,
      %sub3A_252 = arith.subf %gather3A_249, %get3A_251 : vector<16xf32>
      %mul3A_253 = arith.mulf %sub3A_252, %sub3A_252 : vector<16xf32>
      %add3A_254 = arith.addf %add3A_238, %mul3A_253 : vector<16xf32>
      %mul3A_255 = arith.constant 4 : i32
      %mul3A_256 = arith.muli %scan3A_208, %mul3A_255 : i32
      %add3A_257 = arith.constant 3 : i32
      %add3A_258 = arith.addi %mul3A_256, %add3A_257 : i32
      %mul3A_259 = arith.constant 16 : i32
      %mul3A_260 = arith.muli %add3A_258, %mul3A_259 : i32
      %add3A_261 = arith.constant 4096 : i32
      %add3A_262 = arith.addi %add3A_261, %mul3A_260 : i32
      %get3A_263 = arith.index_cast %add3A_262 : i32 to index
      %get3A_264 = tpu.vector_load %arg7[%get3A_263] {strides = array<i32>} : memref<16384xi32, #tpu.memory_space<vmem>>, vector<16xi32>,
      %gather3A_265 = tpu.vector_load_idx %arg6[%get3A_264] : memref<100000xf32, #tpu.memory_space<vmem>>[vector<16xi32>], vector<16xf32>,
      %get3A_266 = arith.index_cast %mul3A_260 : i32 to index
      %get3A_267 = tpu.vector_load %arg9[%get3A_266] {strides = array<i32>} : memref<4096xf32, #tpu.memory_space<vmem>>, vector<16xf32>,
      %sub3A_268 = arith.subf %gather3A_265, %get3A_267 : vector<16xf32>
      %mul3A_269 = arith.mulf %sub3A_268, %sub3A_268 : vector<16xf32>
      %add3A_270 = arith.addf %add3A_254, %mul3A_269 : vector<16xf32>
      scf.yield %add3A_270 : vector<16xf32>
    }
    %scan3A_172 = arith.constant 64 : i32
    %dma_wait3A_173 = arith.constant 8192 : i32
    %dma_wait3A_174 = tpu.memref_slice %arg2[%add3A_160, %dma_wait3A_173] : memref<64x16384xf32, #tpu.memory_space<hbm>> -> memref<1x4096xf32, #tpu.memory_space<hbm>>
    %dma_wait3A_175 = tpu.memref_squeeze %dma_wait3A_174 : memref<1x4096xf32, #tpu.memory_space<hbm>> -> memref<4096xf32, #tpu.memory_space<hbm>>
    %dma_wait3A_176 = arith.constant 8192 : i32
    %dma_wait3A_177 = tpu.memref_slice %arg2[%add3A_160, %dma_wait3A_176] : memref<64x16384xf32, #tpu.memory_space<hbm>> -> memref<1x4096xf32, #tpu.memory_space<hbm>>
    %dma_wait3A_178 = tpu.memref_squeeze %dma_wait3A_177 : memref<1x4096xf32, #tpu.memory_space<hbm>> -> memref<4096xf32, #tpu.memory_space<hbm>>
    tpu.wait_dma2 semaphore(%arg12 : memref<!tpu.dma_semaphore, #tpu.memory_space<semaphore_mem>>) src(%dma_wait3A_178 : memref<4096xf32, #tpu.memory_space<hbm>>) dst(%arg8 : memref<4096xf32, #tpu.memory_space<vmem>>)
    %mul3A_179 = arith.constant 2 : i32
    %mul3A_180 = arith.muli %add3A, %mul3A_179 : i32
    %add3A_181 = arith.constant 1 : i32
    %add3A_182 = arith.addi %mul3A_180, %add3A_181 : i32
    %dma_start3A_183 = arith.constant 12288 : i32
    %dma_start3A_184 = tpu.memref_slice %arg2[%add3A_182, %dma_start3A_183] : memref<64x16384xf32, #tpu.memory_space<hbm>> -> memref<1x4096xf32, #tpu.memory_space<hbm>>
    %dma_start3A_185 = tpu.memref_squeeze %dma_start3A_184 : memref<1x4096xf32, #tpu.memory_space<hbm>> -> memref<4096xf32, #tpu.memory_space<hbm>>
    %dma_start3A_186 = arith.constant 12288 : i32
    %dma_start3A_187 = tpu.memref_slice %arg2[%add3A_182, %dma_start3A_186] : memref<64x16384xf32, #tpu.memory_space<hbm>> -> memref<1x4096xf32, #tpu.memory_space<hbm>>
    %dma_start3A_188 = tpu.memref_squeeze %dma_start3A_187 : memref<1x4096xf32, #tpu.memory_space<hbm>> -> memref<4096xf32, #tpu.memory_space<hbm>>
    tpu.enqueue_dma source(%dma_start3A_188 : memref<4096xf32, #tpu.memory_space<hbm>>) target(%arg9 : memref<4096xf32, #tpu.memory_space<vmem>>) target_semaphore(%arg12 : memref<!tpu.dma_semaphore, #tpu.memory_space<semaphore_mem>>)
    %scan3A_189 = arith.constant 0 : i32
    %scan3A_190 = arith.constant 64 : i32
    %scan3A_191 = arith.addi %scan3A_189, %scan3A_190 : i32
    %scan3A_192 = arith.constant 1 : i32
    %scan3A_193 = scf.for %scan3A_208 = %scan3A_189 to %scan3A_191 step %scan3A_192 iter_args(%scan3A_209 = %scan3A_171) -> (vector<16xf32>)  : i32 {
      %mul3A_210 = arith.constant 4 : i32
      %mul3A_211 = arith.muli %scan3A_208, %mul3A_210 : i32
      %add3A_212 = arith.constant 0 : i32
      %add3A_213 = arith.addi %mul3A_211, %add3A_212 : i32
      %mul3A_214 = arith.constant 16 : i32
      %mul3A_215 = arith.muli %add3A_213, %mul3A_214 : i32
      %add3A_216 = arith.constant 8192 : i32
      %add3A_217 = arith.addi %add3A_216, %mul3A_215 : i32
      %get3A = arith.index_cast %add3A_217 : i32 to index
      %get3A_218 = tpu.vector_load %arg7[%get3A] {strides = array<i32>} : memref<16384xi32, #tpu.memory_space<vmem>>, vector<16xi32>,
      %gather3A = tpu.vector_load_idx %arg6[%get3A_218] : memref<100000xf32, #tpu.memory_space<vmem>>[vector<16xi32>], vector<16xf32>,
      %get3A_219 = arith.index_cast %mul3A_215 : i32 to index
      %get3A_220 = tpu.vector_load %arg8[%get3A_219] {strides = array<i32>} : memref<4096xf32, #tpu.memory_space<vmem>>, vector<16xf32>,
      %sub3A = arith.subf %gather3A, %get3A_220 : vector<16xf32>
      %mul3A_221 = arith.mulf %sub3A, %sub3A : vector<16xf32>
      %add3A_222 = arith.addf %scan3A_209, %mul3A_221 : vector<16xf32>
      %mul3A_223 = arith.constant 4 : i32
      %mul3A_224 = arith.muli %scan3A_208, %mul3A_223 : i32
      %add3A_225 = arith.constant 1 : i32
      %add3A_226 = arith.addi %mul3A_224, %add3A_225 : i32
      %mul3A_227 = arith.constant 16 : i32
      %mul3A_228 = arith.muli %add3A_226, %mul3A_227 : i32
      %add3A_229 = arith.constant 8192 : i32
      %add3A_230 = arith.addi %add3A_229, %mul3A_228 : i32
      %get3A_231 = arith.index_cast %add3A_230 : i32 to index
      %get3A_232 = tpu.vector_load %arg7[%get3A_231] {strides = array<i32>} : memref<16384xi32, #tpu.memory_space<vmem>>, vector<16xi32>,
      %gather3A_233 = tpu.vector_load_idx %arg6[%get3A_232] : memref<100000xf32, #tpu.memory_space<vmem>>[vector<16xi32>], vector<16xf32>,
      %get3A_234 = arith.index_cast %mul3A_228 : i32 to index
      %get3A_235 = tpu.vector_load %arg8[%get3A_234] {strides = array<i32>} : memref<4096xf32, #tpu.memory_space<vmem>>, vector<16xf32>,
      %sub3A_236 = arith.subf %gather3A_233, %get3A_235 : vector<16xf32>
      %mul3A_237 = arith.mulf %sub3A_236, %sub3A_236 : vector<16xf32>
      %add3A_238 = arith.addf %add3A_222, %mul3A_237 : vector<16xf32>
      %mul3A_239 = arith.constant 4 : i32
      %mul3A_240 = arith.muli %scan3A_208, %mul3A_239 : i32
      %add3A_241 = arith.constant 2 : i32
      %add3A_242 = arith.addi %mul3A_240, %add3A_241 : i32
      %mul3A_243 = arith.constant 16 : i32
      %mul3A_244 = arith.muli %add3A_242, %mul3A_243 : i32
      %add3A_245 = arith.constant 8192 : i32
      %add3A_246 = arith.addi %add3A_245, %mul3A_244 : i32
      %get3A_247 = arith.index_cast %add3A_246 : i32 to index
      %get3A_248 = tpu.vector_load %arg7[%get3A_247] {strides = array<i32>} : memref<16384xi32, #tpu.memory_space<vmem>>, vector<16xi32>,
      %gather3A_249 = tpu.vector_load_idx %arg6[%get3A_248] : memref<100000xf32, #tpu.memory_space<vmem>>[vector<16xi32>], vector<16xf32>,
      %get3A_250 = arith.index_cast %mul3A_244 : i32 to index
      %get3A_251 = tpu.vector_load %arg8[%get3A_250] {strides = array<i32>} : memref<4096xf32, #tpu.memory_space<vmem>>, vector<16xf32>,
      %sub3A_252 = arith.subf %gather3A_249, %get3A_251 : vector<16xf32>
      %mul3A_253 = arith.mulf %sub3A_252, %sub3A_252 : vector<16xf32>
      %add3A_254 = arith.addf %add3A_238, %mul3A_253 : vector<16xf32>
      %mul3A_255 = arith.constant 4 : i32
      %mul3A_256 = arith.muli %scan3A_208, %mul3A_255 : i32
      %add3A_257 = arith.constant 3 : i32
      %add3A_258 = arith.addi %mul3A_256, %add3A_257 : i32
      %mul3A_259 = arith.constant 16 : i32
      %mul3A_260 = arith.muli %add3A_258, %mul3A_259 : i32
      %add3A_261 = arith.constant 8192 : i32
      %add3A_262 = arith.addi %add3A_261, %mul3A_260 : i32
      %get3A_263 = arith.index_cast %add3A_262 : i32 to index
      %get3A_264 = tpu.vector_load %arg7[%get3A_263] {strides = array<i32>} : memref<16384xi32, #tpu.memory_space<vmem>>, vector<16xi32>,
      %gather3A_265 = tpu.vector_load_idx %arg6[%get3A_264] : memref<100000xf32, #tpu.memory_space<vmem>>[vector<16xi32>], vector<16xf32>,
      %get3A_266 = arith.index_cast %mul3A_260 : i32 to index
      %get3A_267 = tpu.vector_load %arg8[%get3A_266] {strides = array<i32>} : memref<4096xf32, #tpu.memory_space<vmem>>, vector<16xf32>,
      %sub3A_268 = arith.subf %gather3A_265, %get3A_267 : vector<16xf32>
      %mul3A_269 = arith.mulf %sub3A_268, %sub3A_268 : vector<16xf32>
      %add3A_270 = arith.addf %add3A_254, %mul3A_269 : vector<16xf32>
      scf.yield %add3A_270 : vector<16xf32>
    }
    %scan3A_194 = arith.constant 64 : i32
    %dma_wait3A_195 = arith.constant 12288 : i32
    %dma_wait3A_196 = tpu.memref_slice %arg2[%add3A_182, %dma_wait3A_195] : memref<64x16384xf32, #tpu.memory_space<hbm>> -> memref<1x4096xf32, #tpu.memory_space<hbm>>
    %dma_wait3A_197 = tpu.memref_squeeze %dma_wait3A_196 : memref<1x4096xf32, #tpu.memory_space<hbm>> -> memref<4096xf32, #tpu.memory_space<hbm>>
    %dma_wait3A_198 = arith.constant 12288 : i32
    %dma_wait3A_199 = tpu.memref_slice %arg2[%add3A_182, %dma_wait3A_198] : memref<64x16384xf32, #tpu.memory_space<hbm>> -> memref<1x4096xf32, #tpu.memory_space<hbm>>
    %dma_wait3A_200 = tpu.memref_squeeze %dma_wait3A_199 : memref<1x4096xf32, #tpu.memory_space<hbm>> -> memref<4096xf32, #tpu.memory_space<hbm>>
    tpu.wait_dma2 semaphore(%arg12 : memref<!tpu.dma_semaphore, #tpu.memory_space<semaphore_mem>>) src(%dma_wait3A_200 : memref<4096xf32, #tpu.memory_space<hbm>>) dst(%arg9 : memref<4096xf32, #tpu.memory_space<vmem>>)
    %scan3A_201 = arith.constant 0 : i32
    %scan3A_202 = arith.constant 64 : i32
    %scan3A_203 = arith.addi %scan3A_201, %scan3A_202 : i32
    %scan3A_204 = arith.constant 1 : i32
    %scan3A_205 = scf.for %scan3A_208 = %scan3A_201 to %scan3A_203 step %scan3A_204 iter_args(%scan3A_209 = %scan3A_193) -> (vector<16xf32>)  : i32 {
      %mul3A_210 = arith.constant 4 : i32
      %mul3A_211 = arith.muli %scan3A_208, %mul3A_210 : i32
      %add3A_212 = arith.constant 0 : i32
      %add3A_213 = arith.addi %mul3A_211, %add3A_212 : i32
      %mul3A_214 = arith.constant 16 : i32
      %mul3A_215 = arith.muli %add3A_213, %mul3A_214 : i32
      %add3A_216 = arith.constant 12288 : i32
      %add3A_217 = arith.addi %add3A_216, %mul3A_215 : i32
      %get3A = arith.index_cast %add3A_217 : i32 to index
      %get3A_218 = tpu.vector_load %arg7[%get3A] {strides = array<i32>} : memref<16384xi32, #tpu.memory_space<vmem>>, vector<16xi32>,
      %gather3A = tpu.vector_load_idx %arg6[%get3A_218] : memref<100000xf32, #tpu.memory_space<vmem>>[vector<16xi32>], vector<16xf32>,
      %get3A_219 = arith.index_cast %mul3A_215 : i32 to index
      %get3A_220 = tpu.vector_load %arg9[%get3A_219] {strides = array<i32>} : memref<4096xf32, #tpu.memory_space<vmem>>, vector<16xf32>,
      %sub3A = arith.subf %gather3A, %get3A_220 : vector<16xf32>
      %mul3A_221 = arith.mulf %sub3A, %sub3A : vector<16xf32>
      %add3A_222 = arith.addf %scan3A_209, %mul3A_221 : vector<16xf32>
      %mul3A_223 = arith.constant 4 : i32
      %mul3A_224 = arith.muli %scan3A_208, %mul3A_223 : i32
      %add3A_225 = arith.constant 1 : i32
      %add3A_226 = arith.addi %mul3A_224, %add3A_225 : i32
      %mul3A_227 = arith.constant 16 : i32
      %mul3A_228 = arith.muli %add3A_226, %mul3A_227 : i32
      %add3A_229 = arith.constant 12288 : i32
      %add3A_230 = arith.addi %add3A_229, %mul3A_228 : i32
      %get3A_231 = arith.index_cast %add3A_230 : i32 to index
      %get3A_232 = tpu.vector_load %arg7[%get3A_231] {strides = array<i32>} : memref<16384xi32, #tpu.memory_space<vmem>>, vector<16xi32>,
      %gather3A_233 = tpu.vector_load_idx %arg6[%get3A_232] : memref<100000xf32, #tpu.memory_space<vmem>>[vector<16xi32>], vector<16xf32>,
      %get3A_234 = arith.index_cast %mul3A_228 : i32 to index
      %get3A_235 = tpu.vector_load %arg9[%get3A_234] {strides = array<i32>} : memref<4096xf32, #tpu.memory_space<vmem>>, vector<16xf32>,
      %sub3A_236 = arith.subf %gather3A_233, %get3A_235 : vector<16xf32>
      %mul3A_237 = arith.mulf %sub3A_236, %sub3A_236 : vector<16xf32>
      %add3A_238 = arith.addf %add3A_222, %mul3A_237 : vector<16xf32>
      %mul3A_239 = arith.constant 4 : i32
      %mul3A_240 = arith.muli %scan3A_208, %mul3A_239 : i32
      %add3A_241 = arith.constant 2 : i32
      %add3A_242 = arith.addi %mul3A_240, %add3A_241 : i32
      %mul3A_243 = arith.constant 16 : i32
      %mul3A_244 = arith.muli %add3A_242, %mul3A_243 : i32
      %add3A_245 = arith.constant 12288 : i32
      %add3A_246 = arith.addi %add3A_245, %mul3A_244 : i32
      %get3A_247 = arith.index_cast %add3A_246 : i32 to index
      %get3A_248 = tpu.vector_load %arg7[%get3A_247] {strides = array<i32>} : memref<16384xi32, #tpu.memory_space<vmem>>, vector<16xi32>,
      %gather3A_249 = tpu.vector_load_idx %arg6[%get3A_248] : memref<100000xf32, #tpu.memory_space<vmem>>[vector<16xi32>], vector<16xf32>,
      %get3A_250 = arith.index_cast %mul3A_244 : i32 to index
      %get3A_251 = tpu.vector_load %arg9[%get3A_250] {strides = array<i32>} : memref<4096xf32, #tpu.memory_space<vmem>>, vector<16xf32>,
      %sub3A_252 = arith.subf %gather3A_249, %get3A_251 : vector<16xf32>
      %mul3A_253 = arith.mulf %sub3A_252, %sub3A_252 : vector<16xf32>
      %add3A_254 = arith.addf %add3A_238, %mul3A_253 : vector<16xf32>
      %mul3A_255 = arith.constant 4 : i32
      %mul3A_256 = arith.muli %scan3A_208, %mul3A_255 : i32
      %add3A_257 = arith.constant 3 : i32
      %add3A_258 = arith.addi %mul3A_256, %add3A_257 : i32
      %mul3A_259 = arith.constant 16 : i32
      %mul3A_260 = arith.muli %add3A_258, %mul3A_259 : i32
      %add3A_261 = arith.constant 12288 : i32
      %add3A_262 = arith.addi %add3A_261, %mul3A_260 : i32
      %get3A_263 = arith.index_cast %add3A_262 : i32 to index
      %get3A_264 = tpu.vector_load %arg7[%get3A_263] {strides = array<i32>} : memref<16384xi32, #tpu.memory_space<vmem>>, vector<16xi32>,
      %gather3A_265 = tpu.vector_load_idx %arg6[%get3A_264] : memref<100000xf32, #tpu.memory_space<vmem>>[vector<16xi32>], vector<16xf32>,
      %get3A_266 = arith.index_cast %mul3A_260 : i32 to index
      %get3A_267 = tpu.vector_load %arg9[%get3A_266] {strides = array<i32>} : memref<4096xf32, #tpu.memory_space<vmem>>, vector<16xf32>,
      %sub3A_268 = arith.subf %gather3A_265, %get3A_267 : vector<16xf32>
      %mul3A_269 = arith.mulf %sub3A_268, %sub3A_268 : vector<16xf32>
      %add3A_270 = arith.addf %add3A_254, %mul3A_269 : vector<16xf32>
      scf.yield %add3A_270 : vector<16xf32>
    }
    %scan3A_206 = arith.constant 64 : i32
    %swap3A = arith.constant 0 : index
    %swap3A_207 = tpu.vector_load %arg10[%swap3A] {strides = array<i32>} : memref<16xf32, #tpu.memory_space<vmem>>, vector<16xf32>,
    tpu.vector_store %arg10[%swap3A], %scan3A_205 {strides = array<i32>} : memref<16xf32, #tpu.memory_space<vmem>>, vector<16xf32>,
    "tpu.region"() ({
      %run_scoped3A = tpu.sem_alloc : memref<!tpu.dma_semaphore, #tpu.memory_space<semaphore_mem>>
      %dma_start3A_208 = arith.constant 0 : i32
      %dma_start3A_209 = tpu.memref_slice %arg5[%add3A, %dma_start3A_208] : memref<32x16xf32, #tpu.memory_space<hbm>> -> memref<1x16xf32, #tpu.memory_space<hbm>>
      %dma_start3A_210 = tpu.memref_squeeze %dma_start3A_209 : memref<1x16xf32, #tpu.memory_space<hbm>> -> memref<16xf32, #tpu.memory_space<hbm>>
      %dma_start3A_211 = arith.constant 0 : i32
      %dma_start3A_212 = tpu.memref_slice %arg5[%add3A, %dma_start3A_211] : memref<32x16xf32, #tpu.memory_space<hbm>> -> memref<1x16xf32, #tpu.memory_space<hbm>>
      %dma_start3A_213 = tpu.memref_squeeze %dma_start3A_212 : memref<1x16xf32, #tpu.memory_space<hbm>> -> memref<16xf32, #tpu.memory_space<hbm>>
      tpu.enqueue_dma source(%arg10 : memref<16xf32, #tpu.memory_space<vmem>>) target(%dma_start3A_213 : memref<16xf32, #tpu.memory_space<hbm>>) target_semaphore(%run_scoped3A : memref<!tpu.dma_semaphore, #tpu.memory_space<semaphore_mem>>)
      %dma_wait3A_214 = arith.constant 0 : i32
      %dma_wait3A_215 = tpu.memref_slice %arg5[%add3A, %dma_wait3A_214] : memref<32x16xf32, #tpu.memory_space<hbm>> -> memref<1x16xf32, #tpu.memory_space<hbm>>
      %dma_wait3A_216 = tpu.memref_squeeze %dma_wait3A_215 : memref<1x16xf32, #tpu.memory_space<hbm>> -> memref<16xf32, #tpu.memory_space<hbm>>
      %dma_wait3A_217 = arith.constant 0 : i32
      %dma_wait3A_218 = tpu.memref_slice %arg5[%add3A, %dma_wait3A_217] : memref<32x16xf32, #tpu.memory_space<hbm>> -> memref<1x16xf32, #tpu.memory_space<hbm>>
      %dma_wait3A_219 = tpu.memref_squeeze %dma_wait3A_218 : memref<1x16xf32, #tpu.memory_space<hbm>> -> memref<16xf32, #tpu.memory_space<hbm>>
      tpu.wait_dma2 semaphore(%run_scoped3A : memref<!tpu.dma_semaphore, #tpu.memory_space<semaphore_mem>>) src(%arg10 : memref<16xf32, #tpu.memory_space<vmem>>) dst(%dma_wait3A_219 : memref<16xf32, #tpu.memory_space<hbm>>)
      tpu.yield
    }) : () -> ()
    return
  }
}

module attributes {stable_mosaic.version = 14 : i64} {
  func.func @body(%arg0: memref<32x16xf32, #tpu.memory_space<vmem>>, %arg1: memref<1x1xf32, #tpu.memory_space<vmem>>) attributes {dimension_semantics = [], scalar_prefetch = 0 : i64, scratch_operands = 0 : i64, tpu.core_type = #tpu.core_type<tc>} {
    %get3A = arith.constant 0 : index
    %get3A_0 = arith.constant 0 : index
    %get3A_1 = vector.load %arg0[%get3A, %get3A_0] : memref<32x16xf32, #tpu.memory_space<vmem>>, vector<32x16xf32>
    %reduce_sum3A = vector.shape_cast %get3A_1 : vector<32x16xf32> to vector<1x32x16xf32>
    %reduce_sum3A_2 = arith.constant dense<0.000000e+00> : vector<1xf32>
    %reduce_sum3A_3 = vector.multi_reduction <add>, %reduce_sum3A, %reduce_sum3A_2 [1, 2] : vector<1x32x16xf32> to vector<1xf32>
    %reduce_sum3A_4 = vector.shape_cast %reduce_sum3A_3 : vector<1xf32> to vector<1x1x1xf32>
    %reduce_sum3A_5 = vector.extract %reduce_sum3A_4[0, 0, 0] : f32 from vector<1x1x1xf32>
    %broadcast_in_dim3A = vector.broadcast %reduce_sum3A_5 : f32 to vector<1x1xf32>
    %mul3A = arith.constant 6.10351563E-5 : f32
    %mul3A_6 = vector.broadcast %mul3A : f32 to vector<1x1xf32>
    %mul3A_7 = arith.mulf %broadcast_in_dim3A, %mul3A_6 : vector<1x1xf32>
    %swap3A = arith.constant 0 : index
    %swap3A_8 = arith.constant 0 : index
    %swap3A_9 = vector.load %arg1[%swap3A, %swap3A_8] : memref<1x1xf32, #tpu.memory_space<vmem>>, vector<1x1xf32>
    tpu.vector_store %arg1[%swap3A, %swap3A_8], %mul3A_7 {strides = array<i32>} : memref<1x1xf32, #tpu.memory_space<vmem>>, vector<1x1xf32>,
    return
  }
}

</mosaic_0001>

<sc_bundles>
// kernel: kernel.4.cloned.1.call-start
scs
__scs_entry_jumppad:
0x0: {  	(pc) =	sbr.rel $0x88, $3  }
0x1: {  	(tag) =	ssettag $0x0;
	lr =	simm.s32 $0x1  }
0x2: {  	[smem:$0x3F9E] =	sst lr;
	_ =	strace $0xD0000000  }
0x3: {  	_ = 	snop  }
0x4: {  	_ = 	snop  }
0x5: {  	_ = 	snop  }
0x6: {  	_ = 	snop  }
0x7: {  	_ = 	snop  }
__scs_overlays_trampoline_lowered:
0x8: {  	[smem:$0x3FAD] =	sst s0  }
0x9: {  	[smem:$0x3FAE] =	sst s1  }
0xa: {  	[smem:$0x3FAF] =	sst s2  }
0xb: {  	[smem:$0x3FB0] =	sst s3  }
0xc: {  	[smem:$0x3FB1] =	sst s4  }
0xd: {  	[smem:$0x3FB2] =	sst s5  }
0xe: {  	[smem:$0x3FB3] =	sst s6  }
0xf: {  	[smem:$0x3FB4] =	sst s7  }
0x10: {  	[smem:$0x3FB5] =	sst s8  }
0x11: {  	[smem:$0x3FB6] =	sst s9;
	s0 =	simm.s32 @!p0 $0x0  }
0x12: {  	s1 =	sld [smem:$0x3F9C];
	s0 =	simm.s32 @p0 $0x1  }
0x13: {  	[smem:$0x3FB7] =	sst s0;
	s0 =	simm.s32 @!p1 $0x0  }
0x14: {  	s2 =	sld [smem:$0x3F9B];
	s0 =	simm.s32 @p1 $0x1  }
0x15: {  	[smem:$0x3FB8] =	sst s0;
	s0 =	simm.s32 @!p2 $0x0  }
0x16: {  	s3 =	sld [smem:$0x3FDB];
	s0 =	simm.s32 @p2 $0x1  }
0x17: {  	s4 =	simm.s32 $0x1BF5;
	[smem:$0x3FBA] =	sst s0  }
0x18: {  	s0 =	sld [smem:$0x3F9D];
	_ =	swait.ge [sflag:s4], $0x0  }
0x19: {  	s7 =	sld [smem:$0x3F9E]  }
0x1a: {  	s8 =	sadd.s32 $0xFFFFE003, lr  }
0x1b: {  	s9 =	sadd.s32 $0xFFFFFEF7, lr;
	s5 =	simm.s32 $0xFFFFFFFF;
	p2 =	slt.u32 s8, $0xFFFFF086  }
0x1c: {  	p1 =	slt.u32 s9, $0xF7A;
	s5 =	simm.s32 @!p2 $0x0  }
0x1d: {  	s5 =	simm.s32 @p1 $0x1;
	p0 =	seq.s32 s7, s2  }
0x1e: {  	s7 =	smul.u32 @!p0 $0xF7A, s2;
	p2 =	seq.s32 @!p0 s5, $0x0  }
0x1f: {  	s9 =	smul.u32 $0xF7A, s1;
	s8 =	simm.s32 @!p0 $0x1BF5;
	p2 =	por !p2, p0  }
0x20: {  	[sflag:s8] =	ssyncset.s32 @!p0 $0xFFFFF086;
	s6 =	sadd.s32 @!p0 s3, s7;
	s7 =	simm.s32 @!p0 $0x108  }
0x21: {  	s3 =	sadd.s32 s3, s9;
	s6 =	sadd.s32 @!p0 $0x88, s6;
	s7 =	simm.s32 @p2 $0x1082  }
0x22: {  	[simem:s7], [sflag:s8] =	dma.local @!p0 [hbm:s6], $0xF7A  }
0x23: {  	s9 =	sor.u32 $0xD0000000, s2;
	s6 =	simm.s32 $0x108;
	_ =	swait.ge @!p0 [sflag:s8], $0x0  }
0x24: {  	s3 =	sadd.s32 $0x88, s3;
	s6 =	simm.s32 @!p1 $0x1082;
	[sflag:s4] =	ssyncset.s32 $0xFFFFF086  }
0x25: {  	[simem:s6], [sflag:s4] =	dma.local [hbm:s3], $0xF7A  }
0x26: {  	[smem:$0x3F9E] =	sst s1;
	(tag) =	ssettag s2;
	_ =	strace s9  }
0x27: {  	s1 =	sld [smem:$0x3FAE]  }
0x28: {  	s2 =	sld [smem:$0x3FAF]  }
0x29: {  	s4 =	sld [smem:$0x3FB1]  }
0x2a: {  	p0 =	seq.s32 s5, $0x0;
	s5 =	sld [smem:$0x3FB2]  }
0x2b: {  	s6 =	sld [smem:$0x3FB3]  }
0x2c: {  	s7 =	sld [smem:$0x3FB4]  }
0x2d: {  	s3 =	simm.s32 $0x108;
	s8 =	sld [smem:$0x3FB5]  }
0x2e: {  	s3 =	simm.s32 @!p0 $0x1082;
	s9 =	sld [smem:$0x3FB6]  }
0x2f: {  	lr =	sadd.s32 s0, s3;
	s0 =	sld [smem:$0x3FAD]  }
0x30: {  	s3 =	sld [smem:$0x3FB0]  }
0x31: {  	[smem:$0x3FB9] =	sst s10  }
0x32: {  	s10 =	sld [smem:$0x3FB7];
	_ =	sdelay $0x3  }
0x33: {  	p0 =	seq.s32 s10, $0x1;
	s10 =	sld [smem:$0x3FB9];
	_ =	sdelay $0x3  }
0x34: {  	[smem:$0x3FB9] =	sst s10  }
0x35: {  	s10 =	sld [smem:$0x3FB8];
	_ =	sdelay $0x3  }
0x36: {  	p1 =	seq.s32 s10, $0x1;
	s10 =	sld [smem:$0x3FB9];
	_ =	sdelay $0x3  }
0x37: {  	[smem:$0x3FB9] =	sst s10  }
0x38: {  	s10 =	sld [smem:$0x3FBA]  }
0x39: {  	_ = 	snop;
	(pc) =	sbr.ind lr, $3  }
0x3a: {  	_ = 	snop  }
0x3b: {  	_ = 	snop  }
0x3c: {  	p2 =	seq.s32 s10, $0x1;
	s10 =	sld [smem:$0x3FB9]  }
0x3d: {  	_ =	shalt  }
0x3e: {  	_ =	shalt  }
0x3f: {  	_ =	shalt  }
0x40: {  	_ =	shalt  }
0x41: {  	_ =	shalt  }
0x42: {  	_ =	shalt  }
0x43: {  	_ =	shalt  }
0x44: {  	_ =	shalt  }
0x45: {  	_ =	shalt  }
0x46: {  	_ =	shalt  }
0x47: {  	_ =	shalt  }
0x48: {  	_ =	shalt  }
0x49: {  	_ =	shalt  }
0x4a: {  	_ =	shalt  }
0x4b: {  	_ =	shalt  }
0x4c: {  	_ =	shalt  }
0x4d: {  	_ =	shalt  }
0x4e: {  	_ =	shalt  }
0x4f: {  	_ =	shalt  }
0x50: {  	_ =	shalt  }
0x51: {  	_ =	shalt  }
0x52: {  	_ =	shalt  }
0x53: {  	_ =	shalt  }
0x54: {  	_ =	shalt  }
0x55: {  	_ =	shalt  }
0x56: {  	_ =	shalt  }
0x57: {  	_ =	shalt  }
0x58: {  	_ =	shalt  }
0x59: {  	_ =	shalt  }
0x5a: {  	_ =	shalt  }
0x5b: {  	_ =	shalt  }
0x5c: {  	_ =	shalt  }
0x5d: {  	_ =	shalt  }
0x5e: {  	_ =	shalt  }
0x5f: {  	_ =	shalt  }
0x60: {  	_ =	shalt  }
0x61: {  	_ =	shalt  }
0x62: {  	_ =	shalt  }
0x63: {  	_ =	shalt  }
0x64: {  	_ =	shalt  }
0x65: {  	_ =	shalt  }
0x66: {  	_ =	shalt  }
0x67: {  	_ =	shalt  }
0x68: {  	_ =	shalt  }
0x69: {  	_ =	shalt  }
0x6a: {  	_ =	shalt  }
0x6b: {  	_ =	shalt  }
0x6c: {  	_ =	shalt  }
0x6d: {  	_ =	shalt  }
0x6e: {  	_ =	shalt  }
0x6f: {  	_ =	shalt  }
0x70: {  	_ =	shalt  }
0x71: {  	_ =	shalt  }
0x72: {  	_ =	shalt  }
0x73: {  	_ =	shalt  }
0x74: {  	_ =	shalt  }
0x75: {  	_ =	shalt  }
0x76: {  	_ =	shalt  }
0x77: {  	_ =	shalt  }
0x78: {  	_ =	shalt  }
0x79: {  	_ =	shalt  }
0x7a: {  	_ =	shalt  }
0x7b: {  	_ =	shalt  }
0x7c: {  	_ =	shalt  }
0x7d: {  	_ =	shalt  }
0x7e: {  	_ =	shalt  }
0x7f: {  	_ =	shalt  }
0x80: {  	_ =	shalt  }
0x81: {  	_ =	shalt  }
0x82: {  	_ =	shalt  }
0x83: {  	_ =	shalt  }
0x84: {  	_ =	shalt  }
0x85: {  	_ =	shalt  }
0x86: {  	_ =	shalt  }
0x87: {  	_ =	shalt  }
.Lfunc_end0:
.L_simem_size_0:
called_computation_lowered:
.L_overlay_start_0:
0x88: {  	s2 =	sld [smem:$0x3FD9]  }
0x89: {  	s3 =	sld [smem:$0x3FFE];
	_ =	sdelay $0x1  }
0x8a: {  	s1 =	srdreg.scid  }
0x8b: {  	s0 =	sand.u32 $0x1, s1  }
0x8c: {  	s17 =	sshll.u32 s0, $0xA;
	s2 =	sadd.s32 s3, s2  }
0x8d: {  	s2 =	sadd.s32 s2, s17  }
0x8e: {  	[smem:$0x3FC5] =	sst s2  }
0x8f: {  	_ = 	snop  }
0x90: {  	s2 =	sld [smem:$0x3FC9]  }
0x91: {  	s18 =	sld [smem:$0x3FC8]  }
0x92: {  	s4 =	sld [smem:$0x3FC7];
	(tm) =	ssettm $0x1  }
0x93: {  	s5 =	sld [smem:$0x3FFB];
	_ =	sdelay $0x3  }
0x94: {  	_ =	strace s5  }
0x95: {  	s5 =	sld [smem:$0x3FFC];
	_ =	sdelay $0x3  }
0x96: {  	_ =	strace s5  }
0x97: {  	s5 =	sld [smem:$0x3FFD];
	_ =	sdelay $0x3  }
0x98: {  	_ =	strace s5  }
0x99: {  	_ =	strace $0x8FFFFFFF  }
0x9a: {  	s19 =	sld [smem:$0x3FDB];
	_ =	sdelay $0x1  }
0x9b: {  	s6 =	simm.s32 $_scs_section_size  }
0x9c: {  	s7 =	simm.s32 $_size__tile_overlayer_lowered;
	s8 =	simm.s32 $_tile_overlayer_lowered  }
0x9d: {  	s22 =	simm.s32 $0x1BFF;
	s21 =	sshll.u32 s8, $0x1;
	s5 =	sadd.s32 s6, s19  }
0x9e: {  	s9 =	simm.s32 $0x0;
	s20 =	sshll.u32 s7, $0x1;
	s7 =	sadd.s32 s21, s5  }
0x9f: {  	[timem:s9], [sflag:s22] =	dma.local [hbm:s7], s20  }
0xa0: {  	_ =	swait.ge [sflag:s22], s20  }
0xa1: {  	s6 =	ssub.s32 $0x0, s20;
	[sflag:s22] =	ssyncset.done $0x0  }
0xa2: {  	[sflag:s22] =	ssyncadd.s32 s6;
	_ =	sdelay $0x1  }
0xa3: {  	s23 =	simm.s32 $0x1B8B  }
0xa4: {  	_ =	swait.ge [sflag:s23], $0x1  }
0xa5: {  	[sflag:s23] =	ssyncset.done $0x0  }
0xa6: {  	s25 =	simm.s32 $0x1B8E;
	s24 =	sld [smem:$0x3FFE];
	[sflag:s23] =	ssyncadd.s32 $0xFFFFFFFF  }
0xa7: {  	s26 =	simm.s32 $execute0_lowered;
	[smem:$0x3FD2] =	sst s25  }
0xa8: {  	s7 =	sshll.u32 s26, $0x1;
	_ =	strace $0x80000046;
	[dreg:$0x1] =	wrdreg $0xFFFFFFFF  }
0xa9: {  	s28 =	simm.s32 $_size_execute0_lowered;
	s5 =	sadd.s32 s5, s7;
	[dreg:$0x0] =	wrdreg $0x0  }
0xaa: {  	s7 =	sshll.u32 s28, $0x1;
	[dreg:$0x2] =	wrdreg s5  }
0xab: {  	[dreg:$0x3] =	wrdreg s7  }
0xac: {  	[dreg:$0x4] =	wrdreg $0xC0  }
0xad: {  	_ =	task [dreg:s9], $0x5FFFF  }
0xae: {  	[dreg:$0x1] =	wrdreg $0xFFFFFFFF  }
0xaf: {  	[dreg:$0x0] =	wrdreg $0x60  }
0xb0: {  	[dreg:$0x2] =	wrdreg s2  }
0xb1: {  	[dreg:$0x3] =	wrdreg s18  }
0xb2: {  	[dreg:$0x4] =	wrdreg s4  }
0xb3: {  	[dreg:$0x5] =	wrdreg s24  }
0xb4: {  	[dreg:$0x6] =	wrdreg $0x9  }
0xb5: {  	_ =	task.clear_ibuf [dreg:s9], $0x7FFFF;
	_ =	strace $0x90000046  }
0xb6: {  	s29 =	simm.s32 $0x9;
	_ =	strace $0x80000048  }
0xb7: {  	_ =	swait.ge [sflag:s29], $0x1  }
0xb8: {  	[sflag:s29] =	ssyncadd.s32 $0xFFFFFFFF  }
0xb9: {  	_ =	strace $0x90000048  }
0xba: {  	_ =	sfence  }
0xbb: {  	s30 =	sld [smem:$0x0];
	_ =	sdelay $0x2  }
0xbc: {  	s31 =	sshll.u32 s1, $0xD;
	s1 =	sshrl.u32 s1, $0x2  }
0xbd: {  	s3 =	sand.u32 $0x4000, s31;
	s1 =	sadd.s32 s1, s30  }
0xbe: {  	s0 =	sor.u32 s3, s0;
	s1 =	sshll.u32 s1, $0x11  }
0xbf: {  	s0 =	sor.u32 s1, s0  }
0xc0: {  	s0 =	sadd.s32 $0x8F2B, s0  }
0xc1: {  	[sflag:s0] =	ssyncadd.remote.s32 $0x1  }
0xc2: {  	_ =	sfence.sel $0xFFFF  }
0xc3: {  	[dreg:$0x0] =	wrdreg $0xFFFFFFFF;
	(pc) =	sbr.abs _section_cstart, $3  }
0xc4: {  	[dreg:$0x1] =	wrdreg $0xFFFFFFFF  }
0xc5: {  	_ =	task.clear_ibuf [dreg:s9], $0x2FFFF;
	_ =	strace $0x9FFFFFFF  }
0xc6: {  	(tm) =	ssettm $0x7FFFFFFF  }
0xc7: {  	_ =	shalt  }
tec
execute0_lowered:
.L_overlay_start_1:
0x0: {  	(tag) =	ssettag $0x1  }
0x1: {  	s9 =	rddreg [dreg:$0x0]  }
0x2: {  	s1 =	rddreg [dreg:$0x1]  }
0x3: {  	s10 =	rddreg [dreg:$0x2]  }
0x4: {  	s4 =	rddreg [dreg:$0x3]  }
0x5: {  	s0 =	rddreg [dreg:$0x4]  }
0x6: {  	s5 =	srdreg.scid;
	s2 =	stileid.u32  }
0x7: {  	s3 =	simm.s32 $0x0;
	s19 =	simm.s32 $0x1C700;
	s20 =	simm.s32 $0x3  }
0x8: {  	s21 =	simm.s32 $0x1;
	s22 =	simm.s32 $0x2;
	s23 =	simm.s32 $0x1D700  }
0x9: {  	s24 =	simm.s32 $0x1E700;
	s25 =	simm.s32 $0x4;
	s5 =	sand.u32 $0x1, s5  }
0xa: {  	s6 =	sshll.u32 s2, $0x1;
	[smem:$0x7FF] =	sst s3;
	s7 =	sshrl.u32 s2, $0x1  }
0xb: {  	s16 =	sadd.s32 $0x1000, s9;
	s17 =	sadd.s32 $0x2000, s9;
	s18 =	sadd.s32 $0x3000, s9  }
0xc: {  	s6 =	sor.u32 s5, s6;
	s11 =	smul.u32 $0xC3800, s7;
	_ =	strace $0x80000047  }
0xd: {  	s28 =	ssub.s32 $0x2, s5;
	s8 =	sshll.u32 s6, $0x4;
	s6 =	sshll.u32 s6, $0x8  }
0xe: {  	s12 =	sshll.u32 s7, $0x11;
	s30 =	sshrl.u32 s28, $0x1;
	s26 =	sand.u32 $0x300, s6  }
0xf: {  	s14 =	sadd.s32 s8, s4;
	s15 =	ssub.s32 s28, s30;
	s29 =	sor.u32 s11, s26  }
0x10: {  	s7 =	sor.u32 s12, s26;
	s8 =	sor.u32 $0x80, s26;
	s14 =	sadd.s32 $0x600, s14  }
0x11: {  	s15 =	smax.u32 s15, $0x1;
	s26 =	simm.s32 $0x0;
	s5 =	sshrl.u32 s29, $0x3  }
0x12: {  	s13 =	sshrl.u32 s7, $0x3;
	s12 =	sor.u32 s12, s8;
	s11 =	sor.u32 s11, s8  }
0x13: {  	s4 =	sadd.s32 s10, s5;
	s5 =	sadd.s32 s9, s13;
	s6 =	sadd.s32 s13, s16  }
0x14: {  	s7 =	sadd.s32 s13, s17;
	s31 =	sshrl.u32 s12, $0x3;
	s11 =	sshrl.u32 s11, $0x3  }
0x15: {  	s8 =	sadd.s32 s13, s18;
	s9 =	sadd.s32 s9, s31;
	s10 =	sadd.s32 s10, s11  }
0x16: {  	s11 =	sadd.s32 s31, s16;
	s12 =	sadd.s32 s31, s17;
	s13 =	sadd.s32 s31, s18  }
0x17: {  	s16 =	simm.s32 $0x18700;
	s17 =	simm.s32 $0x80;
	s18 =	simm.s32 $0x400  }
.LBB2_1:
0x18: {  	[tilespmem:s16], [sflag:$0x3] =	stream.linear.gather [hbm4b:s1+s3], $0x4000, $0x38;
	[tilespmem:$0x1E780] =	vst v63  }
0x19: {  	_ = 	snop  }
0x1a: {  	[tilespmem:s3], [sflag:$0x1] =	stream.strided.gather [hbm4b:s4+s17], $0x18700, s18, s17, $0x38;
	[tilespmem:$0x1E780] =	vst v63  }
0x1b: {  	_ = 	snop  }
0x1c: {  	[tilespmem:s19], [sflag:$0x2] =	stream.strided.gather [hbm4b:s5+s17], $0x1000, s18, s17, $0x38;
	[tilespmem:$0x1E780] =	vst v63  }
0x1d: {  	_ =	swait.ge [sflag:s20], $0x4000  }
0x1e: {  	[sflag:s20] =	ssyncset.done $0x0  }
0x1f: {  	[sflag:s20] =	ssyncadd.s32 $0xFFFFC000  }
0x20: {  	_ =	swait.ge [sflag:s21], $0x18700  }
0x21: {  	[sflag:s21] =	ssyncset.done $0x0  }
0x22: {  	[sflag:s21] =	ssyncadd.s32 $0xFFFE7900  }
0x23: {  	_ =	swait.ge [sflag:s22], $0x1000  }
0x24: {  	[sflag:s22] =	ssyncset.done $0x0  }
0x25: {  	s29 =	simm.s32 $0x0;
	[sflag:s22] =	ssyncadd.s32 $0xFFFFF000  }
0x26: {  	[tilespmem:s23], [sflag:$0x2] =	stream.strided.gather [hbm4b:s6+s17], $0x1000, s18, s17, $0x38;
	[tilespmem:$0x1E780] =	vst v63  }
0x27: {  	v0 =	vld [tilespmem:s29+$0x18700];
	_ =	sdelay $0x1  }
0x28: {  	v1 =	vld [tilespmem:s29+$0x18710]  }
0x29: {  	v2 =	vld [tilespmem:s29+$0x18720]  }
0x2a: {  	v4 =	vld [tilespmem:s29+$0x1C720]  }
0x2b: {  	v3 =	vld [tilespmem:s29+$0x18730]  }
0x2c: {  	v5 =	vld [tilespmem:s29+$0x1C710]  }
0x2d: {  	v6 =	vld [tilespmem:s29+$0x1C700]  }
0x2e: {  	s28 =	simm.s32 $0x40;
	v0 =	vld.idx.msk [tilespmem:v0+s3+$0x0], $0xffff  }
0x2f: {  	v7 =	vld [tilespmem:s28+$0x18700]  }
0x30: {  	v1 =	vld.idx.msk [tilespmem:v1+s3+$0x0], $0xffff  }
0x31: {  	v8 =	vld [tilespmem:s28+$0x18710]  }
0x32: {  	v2 =	vld.idx.msk [tilespmem:v2+s3+$0x0], $0xffff  }
0x33: {  	v9 =	vld.idx.msk [tilespmem:v3+s3+$0x0], $0xffff;
	v0 =	vsub.f32 v0, v6  }
0x34: {  	v6 =	vld [tilespmem:s29+$0x1C730]  }
0x35: {  	v3 =	vld [tilespmem:s28+$0x18720];
	v1 =	vsub.f32 v1, v5;
	v10 =	vmul.f32 v0, v0  }
0x36: {  	v11 =	vimm.f32 $0.0e+00;
	v5 =	vld [tilespmem:s28+$0x18730]  }
0x37: {  	v4 =	vsub.f32 v2, v4;
	v2 =	vld.idx.msk [tilespmem:v7+s3+$0x0], $0xffff;
	v10 =	vadd.f32 v10, v11;
	v11 =	vmul.f32 v1, v1  }
0x38: {  	v0 =	vld [tilespmem:s28+$0x1C720]  }
0x39: {  	v1 =	vld [tilespmem:s28+$0x1C710];
	v9 =	vsub.f32 v9, v6;
	v7 =	vadd.f32 v11, v10;
	v10 =	vmul.f32 v4, v4  }
0x3a: {  	v6 =	vld [tilespmem:s28+$0x1C700]  }
0x3b: {  	s30 =	simm.s32 $0x80;
	v4 =	vld.idx.msk [tilespmem:v8+s3+$0x0], $0xffff;
	v9 =	vmul.f32 v9, v9;
	v8 =	vadd.f32 v10, v7  }
0x3c: {  	s29 =	simm.s32 $0x300;
	v7 =	vld [tilespmem:s30+$0x18700]  }
.LBB2_2:
0x3d: {  	p0 =	sne.s32 s29, $0x3F00;
	v10 =	vld.idx.msk [tilespmem:v3+s3+$0x0], $0xffff;
	v8 =	vadd.f32 v9, v8  }
0x3e: {  	v9 =	vld [tilespmem:s30+$0x18710]  }
0x3f: {  	v2 =	vsub.f32 v2, v6;
	v6 =	vld.idx.msk [tilespmem:v5+s3+$0x0], $0xffff  }
0x40: {  	v11 =	vld [tilespmem:s28+$0x1C730];
	s28 =	smov.u32 s30  }
0x41: {  	v1 =	vsub.f32 v4, v1;
	v3 =	vld [tilespmem:s28+$0x18720];
	v2 =	vmul.f32 v2, v2  }
0x42: {  	v12 =	vld [tilespmem:s28+$0x1C720]  }
0x43: {  	v0 =	vsub.f32 v10, v0;
	v5 =	vld [tilespmem:s28+$0x18730];
	v4 =	vadd.f32 v2, v8;
	v8 =	vmul.f32 v1, v1  }
.Ltmp0:
0x44: {  	v1 =	vld [tilespmem:s28+$0x1C710];
	(pc) =	sbr.rel @p0 .LBB2_2-.Ltmp0, $4  }
0x45: {  	v13 =	vmul.f32 v0, v0;
	v2 =	vld.idx.msk [tilespmem:v7+s3+$0x0], $0xffff;
	v7 =	vadd.f32 v8, v4;
	v10 =	vsub.f32 v6, v11  }
0x46: {  	v6 =	vld [tilespmem:s28+$0x1C700]  }
0x47: {  	s30 =	sshra.s32 s29, $0x2;
	v4 =	vld.idx.msk [tilespmem:v9+s3+$0x0], $0xffff;
	v8 =	vadd.f32 v13, v7;
	v9 =	vmul.f32 v10, v10;
	v0 =	vmov v12  }
0x48: {  	s29 =	sadd.s32 $0x100, s29;
	v7 =	vld [tilespmem:s30+$0x18700]  }
0x49: {  	_ =	sdelay $0x3  }
0x4a: {  	v3 =	vld.idx.msk [tilespmem:v3+s3+$0x0], $0xffff  }
0x4b: {  	v10 =	vld [tilespmem:s30+$0x18710]  }
0x4c: {  	v5 =	vld.idx.msk [tilespmem:v5+s3+$0x0], $0xffff  }
0x4d: {  	v11 =	vld [tilespmem:s30+$0x18720]  }
0x4e: {  	v12 =	vld [tilespmem:s30+$0x18730]  }
0x4f: {  	v13 =	vld [tilespmem:s28+$0x1C730]  }
0x50: {  	v14 =	vld [tilespmem:s30+$0x1C720]  }
0x51: {  	v15 =	vld [tilespmem:s30+$0x1C710]  }
0x52: {  	v16 =	vld [tilespmem:s30+$0x1C700]  }
0x53: {  	v17 =	vld [tilespmem:s30+$0x1C730]  }
0x54: {  	v7 =	vld.idx.msk [tilespmem:v7+s3+$0x0], $0xffff  }
0x55: {  	v10 =	vld.idx.msk [tilespmem:v10+s3+$0x0], $0xffff  }
0x56: {  	v11 =	vld.idx.msk [tilespmem:v11+s3+$0x0], $0xffff  }
0x57: {  	v12 =	vld.idx.msk [tilespmem:v12+s3+$0x0], $0xffff;
	_ =	swait.ge [sflag:s22], $0x1000  }
0x58: {  	s28 =	simm.s32 $0x0;
	v2 =	vsub.f32 v2, v6;
	[sflag:s22] =	ssyncset.done $0x0  }
0x59: {  	s28 =	sand.u32 $0xFC0, s28;
	[sflag:s22] =	ssyncadd.s32 $0xFFFFF000  }
0x5a: {  	v8 =	vadd.f32 v9, v8;
	v1 =	vsub.f32 v4, v1;
	v2 =	vmul.f32 v2, v2;
	[tilespmem:s19], [sflag:$0x2] =	stream.strided.gather [hbm4b:s7+s17], $0x1000, s18, s17, $0x38;
	[tilespmem:$0x1E780] =	vst v63  }
0x5b: {  	v6 =	vld [tilespmem:s28+$0x19700]  }
0x5c: {  	v1 =	vmul.f32 v1, v1;
	v0 =	vsub.f32 v3, v0;
	v2 =	vadd.f32 v2, v8;
	s28 =	simm.s32 $0x19730  }
0x5d: {  	s29 =	simm.s32 $0x1D720;
	v4 =	vld [tilespmem:s28+$0xFFFFFFE0]  }
0x5e: {  	v0 =	vmul.f32 v0, v0;
	v1 =	vadd.f32 v1, v2;
	v2 =	vsub.f32 v5, v13;
	v8 =	vld [tilespmem:s29+$0x0]  }
0x5f: {  	v3 =	vld [tilespmem:s28+$0xFFFFFFF0]  }
0x60: {  	v0 =	vadd.f32 v0, v1;
	v1 =	vmul.f32 v2, v2;
	v2 =	vsub.f32 v7, v16;
	v5 =	vld [tilespmem:s28+$0x0]  }
0x61: {  	v7 =	vld [tilespmem:s29+$0xFFFFFFF0]  }
0x62: {  	v0 =	vadd.f32 v1, v0;
	v1 =	vmul.f32 v2, v2;
	v9 =	vld [tilespmem:s29+$0xFFFFFFE0];
	v2 =	vsub.f32 v10, v15;
	s28 =	simm.s32 $0x40  }
0x63: {  	s28 =	sand.u32 $0xFC0, s28;
	v6 =	vld.idx.msk [tilespmem:v6+s3+$0x0], $0xffff  }
0x64: {  	v0 =	vadd.f32 v1, v0;
	v1 =	vmul.f32 v2, v2;
	v2 =	vsub.f32 v11, v14;
	v10 =	vld [tilespmem:s28+$0x19700]  }
0x65: {  	s28 =	simm.s32 $0x19770;
	v4 =	vld.idx.msk [tilespmem:v4+s3+$0x0], $0xffff  }
0x66: {  	v62 =	vld [tilespmem:s28+$0xFFFFFFE0];
	v0 =	vadd.f32 v1, v0;
	v1 =	vmul.f32 v2, v2;
	v2 =	vsub.f32 v12, v17  }
0x67: {  	v11 =	vld.idx.msk [tilespmem:v3+s3+$0x0], $0xffff  }
0x68: {  	v0 =	vadd.f32 v1, v0;
	v1 =	vmul.f32 v2, v2;
	v63 =	vld.idx.msk [tilespmem:v5+s3+$0x0], $0xffff;
	v2 =	vsub.f32 v6, v9  }
0x69: {  	v6 =	vld [tilespmem:s29+$0x10]  }
0x6a: {  	v3 =	vld [tilespmem:s28+$0xFFFFFFF0];
	v1 =	vadd.f32 v1, v0;
	v4 =	vsub.f32 v4, v7;
	v2 =	vmul.f32 v2, v2  }
0x6b: {  	v5 =	vld [tilespmem:s28+$0x0];
	s29 =	simm.s32 $0x1D760  }
0x6c: {  	v0 =	vld [tilespmem:s29+$0x0];
	v8 =	vsub.f32 v11, v8;
	v4 =	vmul.f32 v4, v4;
	v7 =	vadd.f32 v2, v1  }
0x6d: {  	v1 =	vld [tilespmem:s29+$0xFFFFFFF0]  }
0x6e: {  	v8 =	vmul.f32 v8, v8;
	v2 =	vld.idx.msk [tilespmem:v10+s3+$0x0], $0xffff;
	v9 =	vsub.f32 v63, v6;
	v7 =	vadd.f32 v4, v7  }
0x6f: {  	s30 =	simm.s32 $0x80;
	v6 =	vld [tilespmem:s29+$0xFFFFFFE0]  }
0x70: {  	s30 =	sand.u32 $0xFC0, s30;
	v4 =	vld.idx.msk [tilespmem:v62+s3+$0x0], $0xffff;
	v9 =	vmul.f32 v9, v9;
	v8 =	vadd.f32 v8, v7  }
0x71: {  	v7 =	vld [tilespmem:s30+$0x19700];
	s30 =	simm.s32 $0xC0  }
.LBB2_4:
0x72: {  	p0 =	sne.s32 s30, $0xFC0;
	v10 =	vld.idx.msk [tilespmem:v3+s3+$0x0], $0xffff;
	s28 =	sadd.s32 $0x40, s28;
	v8 =	vadd.f32 v9, v8  }
0x73: {  	v9 =	vld [tilespmem:s28+$0xFFFFFFE0]  }
0x74: {  	v2 =	vsub.f32 v2, v6;
	v6 =	vld.idx.msk [tilespmem:v5+s3+$0x0], $0xffff  }
0x75: {  	v11 =	vld [tilespmem:s29+$0x10]  }
0x76: {  	v1 =	vsub.f32 v4, v1;
	s29 =	sadd.s32 $0x40, s29;
	v3 =	vld [tilespmem:s28+$0xFFFFFFF0];
	v2 =	vmul.f32 v2, v2  }
0x77: {  	v12 =	vld [tilespmem:s29+$0x0]  }
0x78: {  	v0 =	vsub.f32 v10, v0;
	v5 =	vld [tilespmem:s28+$0x0];
	v4 =	vadd.f32 v2, v8;
	v8 =	vmul.f32 v1, v1  }
.Ltmp1:
0x79: {  	v1 =	vld [tilespmem:s29+$0xFFFFFFF0];
	(pc) =	sbr.rel @p0 .LBB2_4-.Ltmp1, $4  }
0x7a: {  	v13 =	vmul.f32 v0, v0;
	v2 =	vld.idx.msk [tilespmem:v7+s3+$0x0], $0xffff;
	v7 =	vadd.f32 v8, v4;
	v10 =	vsub.f32 v6, v11  }
0x7b: {  	v6 =	vld [tilespmem:s29+$0xFFFFFFE0]  }
0x7c: {  	s31 =	sand.u32 $0xFC0, s30;
	v4 =	vld.idx.msk [tilespmem:v9+s3+$0x0], $0xffff;
	v8 =	vadd.f32 v13, v7;
	v9 =	vmul.f32 v10, v10;
	v0 =	vmov v12  }
0x7d: {  	s30 =	sadd.s32 $0x40, s30;
	v7 =	vld [tilespmem:s31+$0x19700]  }
0x7e: {  	_ =	sdelay $0x3  }
0x7f: {  	v3 =	vld.idx.msk [tilespmem:v3+s3+$0x0], $0xffff  }
0x80: {  	v5 =	vld.idx.msk [tilespmem:v5+s3+$0x0], $0xffff  }
0x81: {  	s28 =	sadd.s32 $0x40, s28;
	v13 =	vld [tilespmem:s29+$0x10]  }
0x82: {  	v10 =	vld [tilespmem:s28+$0xFFFFFFE0]  }
0x83: {  	v11 =	vld [tilespmem:s28+$0xFFFFFFF0]  }
0x84: {  	v12 =	vld [tilespmem:s28+$0x0];
	s28 =	sadd.s32 $0x40, s29  }
0x85: {  	v14 =	vld [tilespmem:s28+$0x0]  }
0x86: {  	v15 =	vld [tilespmem:s28+$0xFFFFFFF0]  }
0x87: {  	v16 =	vld [tilespmem:s28+$0xFFFFFFE0]  }
0x88: {  	v17 =	vld [tilespmem:s28+$0x10]  }
0x89: {  	v7 =	vld.idx.msk [tilespmem:v7+s3+$0x0], $0xffff  }
0x8a: {  	v10 =	vld.idx.msk [tilespmem:v10+s3+$0x0], $0xffff  }
0x8b: {  	v11 =	vld.idx.msk [tilespmem:v11+s3+$0x0], $0xffff  }
0x8c: {  	v12 =	vld.idx.msk [tilespmem:v12+s3+$0x0], $0xffff;
	_ =	swait.ge [sflag:s22], $0x1000  }
0x8d: {  	s28 =	simm.s32 $0x0;
	v2 =	vsub.f32 v2, v6;
	[sflag:s22] =	ssyncset.done $0x0  }
0x8e: {  	s28 =	sand.u32 $0xFC0, s28;
	[sflag:s22] =	ssyncadd.s32 $0xFFFFF000  }
0x8f: {  	v8 =	vadd.f32 v9, v8;
	v1 =	vsub.f32 v4, v1;
	v2 =	vmul.f32 v2, v2;
	[tilespmem:s23], [sflag:$0x2] =	stream.strided.gather [hbm4b:s8+s17], $0x1000, s18, s17, $0x38;
	[tilespmem:$0x1E780] =	vst v63  }
0x90: {  	v6 =	vld [tilespmem:s28+$0x1A700]  }
0x91: {  	v1 =	vmul.f32 v1, v1;
	v0 =	vsub.f32 v3, v0;
	v2 =	vadd.f32 v2, v8;
	s28 =	simm.s32 $0x1A730  }
0x92: {  	s29 =	simm.s32 $0x1C720;
	v4 =	vld [tilespmem:s28+$0xFFFFFFE0]  }
0x93: {  	v0 =	vmul.f32 v0, v0;
	v1 =	vadd.f32 v1, v2;
	v2 =	vsub.f32 v5, v13;
	v8 =	vld [tilespmem:s29+$0x0]  }
0x94: {  	v3 =	vld [tilespmem:s28+$0xFFFFFFF0]  }
0x95: {  	v0 =	vadd.f32 v0, v1;
	v1 =	vmul.f32 v2, v2;
	v2 =	vsub.f32 v7, v16;
	v5 =	vld [tilespmem:s28+$0x0]  }
0x96: {  	v7 =	vld [tilespmem:s29+$0xFFFFFFF0]  }
0x97: {  	v0 =	vadd.f32 v1, v0;
	v1 =	vmul.f32 v2, v2;
	v9 =	vld [tilespmem:s29+$0xFFFFFFE0];
	v2 =	vsub.f32 v10, v15;
	s28 =	simm.s32 $0x40  }
0x98: {  	s28 =	sand.u32 $0xFC0, s28;
	v6 =	vld.idx.msk [tilespmem:v6+s3+$0x0], $0xffff  }
0x99: {  	v0 =	vadd.f32 v1, v0;
	v1 =	vmul.f32 v2, v2;
	v2 =	vsub.f32 v11, v14;
	v10 =	vld [tilespmem:s28+$0x1A700]  }
0x9a: {  	s28 =	simm.s32 $0x1A770;
	v4 =	vld.idx.msk [tilespmem:v4+s3+$0x0], $0xffff  }
0x9b: {  	v62 =	vld [tilespmem:s28+$0xFFFFFFE0];
	v0 =	vadd.f32 v1, v0;
	v1 =	vmul.f32 v2, v2;
	v2 =	vsub.f32 v12, v17  }
0x9c: {  	v11 =	vld.idx.msk [tilespmem:v3+s3+$0x0], $0xffff  }
0x9d: {  	v0 =	vadd.f32 v1, v0;
	v1 =	vmul.f32 v2, v2;
	v63 =	vld.idx.msk [tilespmem:v5+s3+$0x0], $0xffff;
	v2 =	vsub.f32 v6, v9  }
0x9e: {  	v6 =	vld [tilespmem:s29+$0x10]  }
0x9f: {  	v3 =	vld [tilespmem:s28+$0xFFFFFFF0];
	v1 =	vadd.f32 v1, v0;
	v4 =	vsub.f32 v4, v7;
	v2 =	vmul.f32 v2, v2  }
0xa0: {  	v5 =	vld [tilespmem:s28+$0x0];
	s29 =	simm.s32 $0x1C760  }
0xa1: {  	v0 =	vld [tilespmem:s29+$0x0];
	v8 =	vsub.f32 v11, v8;
	v4 =	vmul.f32 v4, v4;
	v7 =	vadd.f32 v2, v1  }
0xa2: {  	v1 =	vld [tilespmem:s29+$0xFFFFFFF0]  }
0xa3: {  	v8 =	vmul.f32 v8, v8;
	v2 =	vld.idx.msk [tilespmem:v10+s3+$0x0], $0xffff;
	v9 =	vsub.f32 v63, v6;
	v7 =	vadd.f32 v4, v7  }
0xa4: {  	s30 =	simm.s32 $0x80;
	v6 =	vld [tilespmem:s29+$0xFFFFFFE0]  }
0xa5: {  	s30 =	sand.u32 $0xFC0, s30;
	v4 =	vld.idx.msk [tilespmem:v62+s3+$0x0], $0xffff;
	v9 =	vmul.f32 v9, v9;
	v8 =	vadd.f32 v8, v7  }
0xa6: {  	v7 =	vld [tilespmem:s30+$0x1A700];
	s30 =	simm.s32 $0xC0  }
.LBB2_6:
0xa7: {  	p0 =	sne.s32 s30, $0xFC0;
	v10 =	vld.idx.msk [tilespmem:v3+s3+$0x0], $0xffff;
	s28 =	sadd.s32 $0x40, s28;
	v8 =	vadd.f32 v9, v8  }
0xa8: {  	v9 =	vld [tilespmem:s28+$0xFFFFFFE0]  }
0xa9: {  	v2 =	vsub.f32 v2, v6;
	v6 =	vld.idx.msk [tilespmem:v5+s3+$0x0], $0xffff  }
0xaa: {  	v11 =	vld [tilespmem:s29+$0x10]  }
0xab: {  	v1 =	vsub.f32 v4, v1;
	s29 =	sadd.s32 $0x40, s29;
	v3 =	vld [tilespmem:s28+$0xFFFFFFF0];
	v2 =	vmul.f32 v2, v2  }
0xac: {  	v12 =	vld [tilespmem:s29+$0x0]  }
0xad: {  	v0 =	vsub.f32 v10, v0;
	v5 =	vld [tilespmem:s28+$0x0];
	v4 =	vadd.f32 v2, v8;
	v8 =	vmul.f32 v1, v1  }
.Ltmp2:
0xae: {  	v1 =	vld [tilespmem:s29+$0xFFFFFFF0];
	(pc) =	sbr.rel @p0 .LBB2_6-.Ltmp2, $4  }
0xaf: {  	v13 =	vmul.f32 v0, v0;
	v2 =	vld.idx.msk [tilespmem:v7+s3+$0x0], $0xffff;
	v7 =	vadd.f32 v8, v4;
	v10 =	vsub.f32 v6, v11  }
0xb0: {  	v6 =	vld [tilespmem:s29+$0xFFFFFFE0]  }
0xb1: {  	s31 =	sand.u32 $0xFC0, s30;
	v4 =	vld.idx.msk [tilespmem:v9+s3+$0x0], $0xffff;
	v8 =	vadd.f32 v13, v7;
	v9 =	vmul.f32 v10, v10;
	v0 =	vmov v12  }
0xb2: {  	s30 =	sadd.s32 $0x40, s30;
	v7 =	vld [tilespmem:s31+$0x1A700]  }
0xb3: {  	_ =	sdelay $0x3  }
0xb4: {  	v3 =	vld.idx.msk [tilespmem:v3+s3+$0x0], $0xffff  }
0xb5: {  	v5 =	vld.idx.msk [tilespmem:v5+s3+$0x0], $0xffff  }
0xb6: {  	s28 =	sadd.s32 $0x40, s28;
	v13 =	vld [tilespmem:s29+$0x10]  }
0xb7: {  	v10 =	vld [tilespmem:s28+$0xFFFFFFE0]  }
0xb8: {  	v11 =	vld [tilespmem:s28+$0xFFFFFFF0]  }
0xb9: {  	v12 =	vld [tilespmem:s28+$0x0];
	s28 =	sadd.s32 $0x40, s29  }
0xba: {  	v14 =	vld [tilespmem:s28+$0x0]  }
0xbb: {  	v15 =	vld [tilespmem:s28+$0xFFFFFFF0]  }
0xbc: {  	v16 =	vld [tilespmem:s28+$0xFFFFFFE0]  }
0xbd: {  	v17 =	vld [tilespmem:s28+$0x10]  }
0xbe: {  	v7 =	vld.idx.msk [tilespmem:v7+s3+$0x0], $0xffff  }
0xbf: {  	v10 =	vld.idx.msk [tilespmem:v10+s3+$0x0], $0xffff  }
0xc0: {  	v2 =	vsub.f32 v2, v6;
	v11 =	vld.idx.msk [tilespmem:v11+s3+$0x0], $0xffff  }
0xc1: {  	v12 =	vld.idx.msk [tilespmem:v12+s3+$0x0], $0xffff;
	_ =	swait.ge [sflag:s22], $0x1000  }
0xc2: {  	v8 =	vadd.f32 v9, v8;
	s28 =	simm.s32 $0x0;
	v1 =	vsub.f32 v4, v1;
	v2 =	vmul.f32 v2, v2;
	[sflag:s22] =	ssyncset.done $0x0  }
0xc3: {  	s28 =	sand.u32 $0xFC0, s28;
	[sflag:s22] =	ssyncadd.s32 $0xFFFFF000  }
0xc4: {  	v1 =	vmul.f32 v1, v1;
	v0 =	vsub.f32 v3, v0;
	v2 =	vadd.f32 v2, v8;
	[tilespmem:s19], [sflag:$0x2] =	stream.strided.gather [hbm4b:s9+s17], $0x1000, s18, s17, $0x38;
	[tilespmem:$0x1E780] =	vst v63  }
0xc5: {  	s29 =	simm.s32 $0x1D720;
	v6 =	vld [tilespmem:s28+$0x1B700]  }
0xc6: {  	v0 =	vmul.f32 v0, v0;
	v1 =	vadd.f32 v1, v2;
	v2 =	vsub.f32 v5, v13;
	s28 =	simm.s32 $0x1B730;
	v8 =	vld [tilespmem:s29+$0x0]  }
0xc7: {  	v4 =	vld [tilespmem:s28+$0xFFFFFFE0]  }
0xc8: {  	v0 =	vadd.f32 v0, v1;
	v1 =	vmul.f32 v2, v2;
	v2 =	vsub.f32 v7, v16;
	v3 =	vld [tilespmem:s28+$0xFFFFFFF0]  }
0xc9: {  	v7 =	vld [tilespmem:s29+$0xFFFFFFF0]  }
0xca: {  	v0 =	vadd.f32 v1, v0;
	v1 =	vmul.f32 v2, v2;
	v5 =	vld [tilespmem:s28+$0x0];
	v2 =	vsub.f32 v10, v15;
	s28 =	simm.s32 $0x40  }
0xcb: {  	v9 =	vld [tilespmem:s29+$0xFFFFFFE0];
	s28 =	sand.u32 $0xFC0, s28  }
0xcc: {  	v0 =	vadd.f32 v1, v0;
	v1 =	vmul.f32 v2, v2;
	v2 =	vsub.f32 v11, v14;
	v11 =	vld [tilespmem:s28+$0x1B700]  }
0xcd: {  	s28 =	simm.s32 $0x1B770;
	v6 =	vld.idx.msk [tilespmem:v6+s3+$0x0], $0xffff  }
0xce: {  	v62 =	vld [tilespmem:s28+$0xFFFFFFE0]  }
0xcf: {  	v10 =	vld.idx.msk [tilespmem:v4+s3+$0x0], $0xffff  }
0xd0: {  	v0 =	vadd.f32 v1, v0;
	v1 =	vmul.f32 v2, v2;
	v2 =	vsub.f32 v12, v17;
	v3 =	vld.idx.msk [tilespmem:v3+s3+$0x0], $0xffff;
	_ =	sdelay $0x1  }
0xd1: {  	v0 =	vadd.f32 v1, v0;
	v1 =	vmul.f32 v2, v2;
	v63 =	vld.idx.msk [tilespmem:v5+s3+$0x0], $0xffff;
	v2 =	vsub.f32 v6, v9  }
0xd2: {  	v6 =	vld [tilespmem:s29+$0x10]  }
0xd3: {  	v4 =	vld [tilespmem:s28+$0xFFFFFFF0];
	v1 =	vadd.f32 v1, v0;
	v7 =	vsub.f32 v10, v7;
	v2 =	vmul.f32 v2, v2  }
0xd4: {  	v5 =	vld [tilespmem:s28+$0x0];
	s29 =	simm.s32 $0x1D760;
	v3 =	vsub.f32 v3, v8  }
0xd5: {  	v0 =	vld [tilespmem:s29+$0x0];
	v7 =	vmul.f32 v7, v7;
	v9 =	vadd.f32 v2, v1  }
0xd6: {  	v8 =	vmul.f32 v3, v3;
	v3 =	vld.idx.msk [tilespmem:v62+s3+$0x0], $0xffff  }
0xd7: {  	v2 =	vld.idx.msk [tilespmem:v11+s3+$0x0], $0xffff;
	v7 =	vadd.f32 v7, v9;
	v9 =	vsub.f32 v63, v6  }
0xd8: {  	s30 =	simm.s32 $0x80;
	v6 =	vld [tilespmem:s29+$0xFFFFFFE0]  }
0xd9: {  	s30 =	sand.u32 $0xFC0, s30;
	v1 =	vld [tilespmem:s29+$0xFFFFFFF0];
	v7 =	vadd.f32 v8, v7;
	v9 =	vmul.f32 v9, v9  }
0xda: {  	v8 =	vld [tilespmem:s30+$0x1B700];
	s30 =	simm.s32 $0xC0  }
.LBB2_8:
0xdb: {  	p0 =	sne.s32 s30, $0xFC0;
	v10 =	vld.idx.msk [tilespmem:v4+s3+$0x0], $0xffff;
	s28 =	sadd.s32 $0x40, s28;
	v7 =	vadd.f32 v9, v7  }
0xdc: {  	v9 =	vld [tilespmem:s28+$0xFFFFFFE0]  }
0xdd: {  	v2 =	vsub.f32 v2, v6;
	v6 =	vld.idx.msk [tilespmem:v5+s3+$0x0], $0xffff  }
0xde: {  	v11 =	vld [tilespmem:s29+$0x10]  }
0xdf: {  	v1 =	vsub.f32 v3, v1;
	s29 =	sadd.s32 $0x40, s29;
	v4 =	vld [tilespmem:s28+$0xFFFFFFF0];
	v2 =	vmul.f32 v2, v2  }
0xe0: {  	v12 =	vld [tilespmem:s29+$0x0]  }
0xe1: {  	v0 =	vsub.f32 v10, v0;
	v5 =	vld [tilespmem:s28+$0x0];
	v3 =	vadd.f32 v2, v7;
	v7 =	vmul.f32 v1, v1  }
.Ltmp3:
0xe2: {  	v1 =	vld [tilespmem:s29+$0xFFFFFFF0];
	(pc) =	sbr.rel @p0 .LBB2_8-.Ltmp3, $4  }
0xe3: {  	v10 =	vmul.f32 v0, v0;
	v2 =	vld.idx.msk [tilespmem:v8+s3+$0x0], $0xffff;
	v7 =	vadd.f32 v7, v3;
	v8 =	vsub.f32 v6, v11  }
0xe4: {  	v6 =	vld [tilespmem:s29+$0xFFFFFFE0]  }
0xe5: {  	s31 =	sand.u32 $0xFC0, s30;
	v3 =	vld.idx.msk [tilespmem:v9+s3+$0x0], $0xffff;
	v7 =	vadd.f32 v10, v7;
	v9 =	vmul.f32 v8, v8;
	v0 =	vmov v12  }
0xe6: {  	s30 =	sadd.s32 $0x40, s30;
	v8 =	vld [tilespmem:s31+$0x1B700]  }
0xe7: {  	_ =	sdelay $0x3  }
0xe8: {  	v4 =	vld.idx.msk [tilespmem:v4+s3+$0x0], $0xffff  }
0xe9: {  	v5 =	vld.idx.msk [tilespmem:v5+s3+$0x0], $0xffff  }
0xea: {  	s28 =	sadd.s32 $0x40, s28;
	v13 =	vld [tilespmem:s29+$0x10]  }
0xeb: {  	v10 =	vld [tilespmem:s28+$0xFFFFFFE0]  }
0xec: {  	v11 =	vld [tilespmem:s28+$0xFFFFFFF0]  }
0xed: {  	v12 =	vld [tilespmem:s28+$0x0];
	s28 =	sadd.s32 $0x40, s29  }
0xee: {  	v14 =	vld [tilespmem:s28+$0x0]  }
0xef: {  	v15 =	vld [tilespmem:s28+$0xFFFFFFF0]  }
0xf0: {  	v16 =	vld [tilespmem:s28+$0xFFFFFFE0]  }
0xf1: {  	v17 =	vld [tilespmem:s28+$0x10]  }
0xf2: {  	v8 =	vld.idx.msk [tilespmem:v8+s3+$0x0], $0xffff  }
0xf3: {  	v10 =	vld.idx.msk [tilespmem:v10+s3+$0x0], $0xffff  }
0xf4: {  	s28 =	simm.s32 $0x0;
	v11 =	vld.idx.msk [tilespmem:v11+s3+$0x0], $0xffff  }
0xf5: {  	v12 =	vld.idx.msk [tilespmem:v12+s3+$0x0], $0xffff;
	[tilespmem:s28], [sflag:$0x1] =	stream.strided.gather [hbm4b:s10+s17], $0x18700, s18, s17, $0x38  }
0xf6: {  	_ =	swait.ge [sflag:s21], $0x18700  }
0xf7: {  	[sflag:s21] =	ssyncset.done $0x0  }
0xf8: {  	[sflag:s21] =	ssyncadd.s32 $0xFFFE7900  }
0xf9: {  	_ =	swait.ge [sflag:s22], $0x1000  }
0xfa: {  	v2 =	vsub.f32 v2, v6;
	[sflag:s22] =	ssyncset.done $0x0  }
0xfb: {  	s29 =	simm.s32 $0x0;
	[sflag:s22] =	ssyncadd.s32 $0xFFFFF000  }
0xfc: {  	v7 =	vadd.f32 v9, v7;
	v1 =	vsub.f32 v3, v1;
	v2 =	vmul.f32 v2, v2;
	[tilespmem:s23], [sflag:$0x2] =	stream.strided.gather [hbm4b:s11+s17], $0x1000, s18, s17, $0x38;
	[tilespmem:$0x1E780] =	vst v63  }
0xfd: {  	v6 =	vld [tilespmem:s29+$0x18700]  }
0xfe: {  	v1 =	vmul.f32 v1, v1;
	v0 =	vsub.f32 v4, v0;
	v2 =	vadd.f32 v2, v7  }
0xff: {  	v3 =	vld [tilespmem:s29+$0x18710]  }
0x100: {  	v0 =	vmul.f32 v0, v0;
	v1 =	vadd.f32 v1, v2;
	v2 =	vsub.f32 v5, v13;
	v4 =	vld [tilespmem:s29+$0x18720]  }
0x101: {  	v7 =	vld [tilespmem:s29+$0x1C720]  }
0x102: {  	v0 =	vadd.f32 v0, v1;
	v1 =	vmul.f32 v2, v2;
	v2 =	vsub.f32 v8, v16;
	v5 =	vld [tilespmem:s29+$0x18730]  }
0x103: {  	v8 =	vld [tilespmem:s29+$0x1C710]  }
0x104: {  	v0 =	vadd.f32 v1, v0;
	v1 =	vmul.f32 v2, v2;
	v2 =	vsub.f32 v10, v15;
	v9 =	vld [tilespmem:s29+$0x1C700]  }
0x105: {  	s28 =	simm.s32 $0x40;
	v6 =	vld.idx.msk [tilespmem:v6+s3+$0x0], $0xffff  }
0x106: {  	v0 =	vadd.f32 v1, v0;
	v1 =	vmul.f32 v2, v2;
	v2 =	vsub.f32 v11, v14;
	v11 =	vld [tilespmem:s28+$0x18700]  }
0x107: {  	v10 =	vld.idx.msk [tilespmem:v3+s3+$0x0], $0xffff  }
0x108: {  	v62 =	vld [tilespmem:s28+$0x18710];
	v0 =	vadd.f32 v1, v0;
	v1 =	vmul.f32 v2, v2;
	v2 =	vsub.f32 v12, v17  }
0x109: {  	v4 =	vld.idx.msk [tilespmem:v4+s3+$0x0], $0xffff  }
0x10a: {  	v0 =	vadd.f32 v1, v0;
	v1 =	vmul.f32 v2, v2;
	v63 =	vld.idx.msk [tilespmem:v5+s3+$0x0], $0xffff;
	v2 =	vsub.f32 v6, v9  }
0x10b: {  	v6 =	vld [tilespmem:s29+$0x1C730]  }
0x10c: {  	v1 =	vadd.f32 v1, v0;
	v3 =	vld [tilespmem:s28+$0x18720];
	v8 =	vsub.f32 v10, v8;
	v2 =	vmul.f32 v2, v2  }
0x10d: {  	v0 =	vld [tilespmem:s28+$0x1C720]  }
0x10e: {  	v5 =	vld [tilespmem:s28+$0x18730];
	v4 =	vsub.f32 v4, v7;
	v8 =	vmul.f32 v8, v8;
	v9 =	vadd.f32 v2, v1  }
0x10f: {  	v1 =	vld [tilespmem:s28+$0x1C710]  }
0x110: {  	v2 =	vld.idx.msk [tilespmem:v11+s3+$0x0], $0xffff;
	v7 =	vadd.f32 v8, v9;
	v8 =	vmul.f32 v4, v4;
	v9 =	vsub.f32 v63, v6  }
0x111: {  	v6 =	vld [tilespmem:s28+$0x1C700]  }
0x112: {  	s30 =	simm.s32 $0x80;
	v4 =	vld.idx.msk [tilespmem:v62+s3+$0x0], $0xffff;
	v8 =	vadd.f32 v8, v7;
	v9 =	vmul.f32 v9, v9  }
0x113: {  	s29 =	simm.s32 $0x300;
	v7 =	vld [tilespmem:s30+$0x18700]  }
.LBB2_10:
0x114: {  	p0 =	sne.s32 s29, $0x3F00;
	v10 =	vld.idx.msk [tilespmem:v3+s3+$0x0], $0xffff;
	v8 =	vadd.f32 v9, v8  }
0x115: {  	v9 =	vld [tilespmem:s30+$0x18710]  }
0x116: {  	v2 =	vsub.f32 v2, v6;
	v6 =	vld.idx.msk [tilespmem:v5+s3+$0x0], $0xffff  }
0x117: {  	v11 =	vld [tilespmem:s28+$0x1C730];
	s28 =	smov.u32 s30  }
0x118: {  	v1 =	vsub.f32 v4, v1;
	v3 =	vld [tilespmem:s28+$0x18720];
	v2 =	vmul.f32 v2, v2  }
0x119: {  	v12 =	vld [tilespmem:s28+$0x1C720]  }
0x11a: {  	v0 =	vsub.f32 v10, v0;
	v5 =	vld [tilespmem:s28+$0x18730];
	v4 =	vadd.f32 v2, v8;
	v8 =	vmul.f32 v1, v1  }
.Ltmp4:
0x11b: {  	v1 =	vld [tilespmem:s28+$0x1C710];
	(pc) =	sbr.rel @p0 .LBB2_10-.Ltmp4, $4  }
0x11c: {  	v13 =	vmul.f32 v0, v0;
	v2 =	vld.idx.msk [tilespmem:v7+s3+$0x0], $0xffff;
	v7 =	vadd.f32 v8, v4;
	v10 =	vsub.f32 v6, v11  }
0x11d: {  	v6 =	vld [tilespmem:s28+$0x1C700]  }
0x11e: {  	s30 =	sshra.s32 s29, $0x2;
	v4 =	vld.idx.msk [tilespmem:v9+s3+$0x0], $0xffff;
	v8 =	vadd.f32 v13, v7;
	v9 =	vmul.f32 v10, v10;
	v0 =	vmov v12  }
0x11f: {  	s29 =	sadd.s32 $0x100, s29;
	v7 =	vld [tilespmem:s30+$0x18700]  }
0x120: {  	_ =	sdelay $0x3  }
0x121: {  	v3 =	vld.idx.msk [tilespmem:v3+s3+$0x0], $0xffff  }
0x122: {  	v10 =	vld [tilespmem:s30+$0x18710]  }
0x123: {  	v5 =	vld.idx.msk [tilespmem:v5+s3+$0x0], $0xffff  }
0x124: {  	v11 =	vld [tilespmem:s30+$0x18720]  }
0x125: {  	v12 =	vld [tilespmem:s30+$0x18730]  }
0x126: {  	v13 =	vld [tilespmem:s28+$0x1C730]  }
0x127: {  	v14 =	vld [tilespmem:s30+$0x1C720]  }
0x128: {  	v15 =	vld [tilespmem:s30+$0x1C710]  }
0x129: {  	v16 =	vld [tilespmem:s30+$0x1C700]  }
0x12a: {  	v17 =	vld [tilespmem:s30+$0x1C730]  }
0x12b: {  	v7 =	vld.idx.msk [tilespmem:v7+s3+$0x0], $0xffff  }
0x12c: {  	v10 =	vld.idx.msk [tilespmem:v10+s3+$0x0], $0xffff  }
0x12d: {  	v11 =	vld.idx.msk [tilespmem:v11+s3+$0x0], $0xffff  }
0x12e: {  	v12 =	vld.idx.msk [tilespmem:v12+s3+$0x0], $0xffff;
	_ =	swait.ge [sflag:s22], $0x1000  }
0x12f: {  	s28 =	simm.s32 $0x0;
	v2 =	vsub.f32 v2, v6;
	[sflag:s22] =	ssyncset.done $0x0  }
0x130: {  	s28 =	sand.u32 $0xFC0, s28;
	[sflag:s22] =	ssyncadd.s32 $0xFFFFF000  }
0x131: {  	v8 =	vadd.f32 v9, v8;
	v1 =	vsub.f32 v4, v1;
	v2 =	vmul.f32 v2, v2;
	[tilespmem:s19], [sflag:$0x2] =	stream.strided.gather [hbm4b:s12+s17], $0x1000, s18, s17, $0x38;
	[tilespmem:$0x1E780] =	vst v63  }
0x132: {  	v6 =	vld [tilespmem:s28+$0x19700]  }
0x133: {  	v1 =	vmul.f32 v1, v1;
	v0 =	vsub.f32 v3, v0;
	v2 =	vadd.f32 v2, v8;
	s28 =	simm.s32 $0x19730  }
0x134: {  	s29 =	simm.s32 $0x1D720;
	v4 =	vld [tilespmem:s28+$0xFFFFFFE0]  }
0x135: {  	v0 =	vmul.f32 v0, v0;
	v1 =	vadd.f32 v1, v2;
	v2 =	vsub.f32 v5, v13;
	v8 =	vld [tilespmem:s29+$0x0]  }
0x136: {  	v3 =	vld [tilespmem:s28+$0xFFFFFFF0]  }
0x137: {  	v0 =	vadd.f32 v0, v1;
	v1 =	vmul.f32 v2, v2;
	v2 =	vsub.f32 v7, v16;
	v5 =	vld [tilespmem:s28+$0x0]  }
0x138: {  	v7 =	vld [tilespmem:s29+$0xFFFFFFF0]  }
0x139: {  	v0 =	vadd.f32 v1, v0;
	v1 =	vmul.f32 v2, v2;
	v9 =	vld [tilespmem:s29+$0xFFFFFFE0];
	v2 =	vsub.f32 v10, v15;
	s28 =	simm.s32 $0x40  }
0x13a: {  	s28 =	sand.u32 $0xFC0, s28;
	v6 =	vld.idx.msk [tilespmem:v6+s3+$0x0], $0xffff  }
0x13b: {  	v0 =	vadd.f32 v1, v0;
	v1 =	vmul.f32 v2, v2;
	v2 =	vsub.f32 v11, v14;
	v10 =	vld [tilespmem:s28+$0x19700]  }
0x13c: {  	s28 =	simm.s32 $0x19770;
	v4 =	vld.idx.msk [tilespmem:v4+s3+$0x0], $0xffff  }
0x13d: {  	v62 =	vld [tilespmem:s28+$0xFFFFFFE0];
	v0 =	vadd.f32 v1, v0;
	v1 =	vmul.f32 v2, v2;
	v2 =	vsub.f32 v12, v17  }
0x13e: {  	v11 =	vld.idx.msk [tilespmem:v3+s3+$0x0], $0xffff  }
0x13f: {  	v0 =	vadd.f32 v1, v0;
	v1 =	vmul.f32 v2, v2;
	v63 =	vld.idx.msk [tilespmem:v5+s3+$0x0], $0xffff;
	v2 =	vsub.f32 v6, v9  }
0x140: {  	v6 =	vld [tilespmem:s29+$0x10]  }
0x141: {  	v3 =	vld [tilespmem:s28+$0xFFFFFFF0];
	v1 =	vadd.f32 v1, v0;
	v4 =	vsub.f32 v4, v7;
	v2 =	vmul.f32 v2, v2  }
0x142: {  	v5 =	vld [tilespmem:s28+$0x0];
	s29 =	simm.s32 $0x1D760  }
0x143: {  	v0 =	vld [tilespmem:s29+$0x0];
	v8 =	vsub.f32 v11, v8;
	v4 =	vmul.f32 v4, v4;
	v7 =	vadd.f32 v2, v1  }
0x144: {  	v1 =	vld [tilespmem:s29+$0xFFFFFFF0]  }
0x145: {  	v8 =	vmul.f32 v8, v8;
	v2 =	vld.idx.msk [tilespmem:v10+s3+$0x0], $0xffff;
	v9 =	vsub.f32 v63, v6;
	v7 =	vadd.f32 v4, v7  }
0x146: {  	s30 =	simm.s32 $0x80;
	v6 =	vld [tilespmem:s29+$0xFFFFFFE0]  }
0x147: {  	s30 =	sand.u32 $0xFC0, s30;
	v4 =	vld.idx.msk [tilespmem:v62+s3+$0x0], $0xffff;
	v9 =	vmul.f32 v9, v9;
	v8 =	vadd.f32 v8, v7  }
0x148: {  	v7 =	vld [tilespmem:s30+$0x19700];
	s30 =	simm.s32 $0xC0  }
.LBB2_12:
0x149: {  	p0 =	sne.s32 s30, $0xFC0;
	v10 =	vld.idx.msk [tilespmem:v3+s3+$0x0], $0xffff;
	s28 =	sadd.s32 $0x40, s28;
	v8 =	vadd.f32 v9, v8  }
0x14a: {  	v9 =	vld [tilespmem:s28+$0xFFFFFFE0]  }
0x14b: {  	v2 =	vsub.f32 v2, v6;
	v6 =	vld.idx.msk [tilespmem:v5+s3+$0x0], $0xffff  }
0x14c: {  	v11 =	vld [tilespmem:s29+$0x10]  }
0x14d: {  	v1 =	vsub.f32 v4, v1;
	s29 =	sadd.s32 $0x40, s29;
	v3 =	vld [tilespmem:s28+$0xFFFFFFF0];
	v2 =	vmul.f32 v2, v2  }
0x14e: {  	v12 =	vld [tilespmem:s29+$0x0]  }
0x14f: {  	v0 =	vsub.f32 v10, v0;
	v5 =	vld [tilespmem:s28+$0x0];
	v4 =	vadd.f32 v2, v8;
	v8 =	vmul.f32 v1, v1  }
.Ltmp5:
0x150: {  	v1 =	vld [tilespmem:s29+$0xFFFFFFF0];
	(pc) =	sbr.rel @p0 .LBB2_12-.Ltmp5, $4  }
0x151: {  	v13 =	vmul.f32 v0, v0;
	v2 =	vld.idx.msk [tilespmem:v7+s3+$0x0], $0xffff;
	v7 =	vadd.f32 v8, v4;
	v10 =	vsub.f32 v6, v11  }
0x152: {  	v6 =	vld [tilespmem:s29+$0xFFFFFFE0]  }
0x153: {  	s31 =	sand.u32 $0xFC0, s30;
	v4 =	vld.idx.msk [tilespmem:v9+s3+$0x0], $0xffff;
	v8 =	vadd.f32 v13, v7;
	v9 =	vmul.f32 v10, v10;
	v0 =	vmov v12  }
0x154: {  	s30 =	sadd.s32 $0x40, s30;
	v7 =	vld [tilespmem:s31+$0x19700]  }
0x155: {  	_ =	sdelay $0x3  }
0x156: {  	v3 =	vld.idx.msk [tilespmem:v3+s3+$0x0], $0xffff  }
0x157: {  	v5 =	vld.idx.msk [tilespmem:v5+s3+$0x0], $0xffff  }
0x158: {  	s28 =	sadd.s32 $0x40, s28;
	v13 =	vld [tilespmem:s29+$0x10]  }
0x159: {  	v10 =	vld [tilespmem:s28+$0xFFFFFFE0]  }
0x15a: {  	v11 =	vld [tilespmem:s28+$0xFFFFFFF0]  }
0x15b: {  	v12 =	vld [tilespmem:s28+$0x0];
	s28 =	sadd.s32 $0x40, s29  }
0x15c: {  	v14 =	vld [tilespmem:s28+$0x0]  }
0x15d: {  	v15 =	vld [tilespmem:s28+$0xFFFFFFF0]  }
0x15e: {  	v16 =	vld [tilespmem:s28+$0xFFFFFFE0]  }
0x15f: {  	v17 =	vld [tilespmem:s28+$0x10]  }
0x160: {  	v7 =	vld.idx.msk [tilespmem:v7+s3+$0x0], $0xffff  }
0x161: {  	v10 =	vld.idx.msk [tilespmem:v10+s3+$0x0], $0xffff  }
0x162: {  	v11 =	vld.idx.msk [tilespmem:v11+s3+$0x0], $0xffff  }
0x163: {  	v12 =	vld.idx.msk [tilespmem:v12+s3+$0x0], $0xffff;
	_ =	swait.ge [sflag:s22], $0x1000  }
0x164: {  	s28 =	simm.s32 $0x0;
	v2 =	vsub.f32 v2, v6;
	[sflag:s22] =	ssyncset.done $0x0  }
0x165: {  	s28 =	sand.u32 $0xFC0, s28;
	[sflag:s22] =	ssyncadd.s32 $0xFFFFF000  }
0x166: {  	v8 =	vadd.f32 v9, v8;
	v1 =	vsub.f32 v4, v1;
	v2 =	vmul.f32 v2, v2;
	[tilespmem:s23], [sflag:$0x2] =	stream.strided.gather [hbm4b:s13+s17], $0x1000, s18, s17, $0x38;
	[tilespmem:$0x1E780] =	vst v63  }
0x167: {  	v6 =	vld [tilespmem:s28+$0x1A700]  }
0x168: {  	v1 =	vmul.f32 v1, v1;
	v0 =	vsub.f32 v3, v0;
	v2 =	vadd.f32 v2, v8;
	s28 =	simm.s32 $0x1A730  }
0x169: {  	s29 =	simm.s32 $0x1C720;
	v4 =	vld [tilespmem:s28+$0xFFFFFFE0]  }
0x16a: {  	v0 =	vmul.f32 v0, v0;
	v1 =	vadd.f32 v1, v2;
	v2 =	vsub.f32 v5, v13;
	v8 =	vld [tilespmem:s29+$0x0]  }
0x16b: {  	v3 =	vld [tilespmem:s28+$0xFFFFFFF0]  }
0x16c: {  	v0 =	vadd.f32 v0, v1;
	v1 =	vmul.f32 v2, v2;
	v2 =	vsub.f32 v7, v16;
	v5 =	vld [tilespmem:s28+$0x0]  }
0x16d: {  	v7 =	vld [tilespmem:s29+$0xFFFFFFF0]  }
0x16e: {  	v0 =	vadd.f32 v1, v0;
	v1 =	vmul.f32 v2, v2;
	v9 =	vld [tilespmem:s29+$0xFFFFFFE0];
	v2 =	vsub.f32 v10, v15;
	s28 =	simm.s32 $0x40  }
0x16f: {  	s28 =	sand.u32 $0xFC0, s28;
	v6 =	vld.idx.msk [tilespmem:v6+s3+$0x0], $0xffff  }
0x170: {  	v0 =	vadd.f32 v1, v0;
	v1 =	vmul.f32 v2, v2;
	v2 =	vsub.f32 v11, v14;
	v10 =	vld [tilespmem:s28+$0x1A700]  }
0x171: {  	s28 =	simm.s32 $0x1A770;
	v4 =	vld.idx.msk [tilespmem:v4+s3+$0x0], $0xffff  }
0x172: {  	v11 =	vld [tilespmem:s28+$0xFFFFFFE0];
	v0 =	vadd.f32 v1, v0;
	v1 =	vmul.f32 v2, v2;
	v2 =	vsub.f32 v12, v17  }
0x173: {  	v3 =	vld.idx.msk [tilespmem:v3+s3+$0x0], $0xffff  }
0x174: {  	v0 =	vadd.f32 v1, v0;
	v1 =	vmul.f32 v2, v2;
	v63 =	vld.idx.msk [tilespmem:v5+s3+$0x0], $0xffff;
	v5 =	vsub.f32 v6, v9  }
0x175: {  	v6 =	vld [tilespmem:s29+$0x10]  }
0x176: {  	v2 =	vld [tilespmem:s28+$0xFFFFFFF0];
	v1 =	vadd.f32 v1, v0;
	s29 =	simm.s32 $0x1C760;
	v4 =	vsub.f32 v4, v7;
	v9 =	vmul.f32 v5, v5  }
0x177: {  	v0 =	vld [tilespmem:s29+$0x0]  }
0x178: {  	v8 =	vsub.f32 v3, v8;
	v5 =	vld [tilespmem:s28+$0x0];
	v4 =	vmul.f32 v4, v4;
	v7 =	vadd.f32 v9, v1  }
0x179: {  	v3 =	vld.idx.msk [tilespmem:v10+s3+$0x0], $0xffff  }
0x17a: {  	v8 =	vmul.f32 v8, v8;
	v1 =	vld [tilespmem:s29+$0xFFFFFFF0];
	v9 =	vsub.f32 v63, v6;
	v7 =	vadd.f32 v4, v7  }
0x17b: {  	s30 =	simm.s32 $0x80;
	v6 =	vld [tilespmem:s29+$0xFFFFFFE0]  }
0x17c: {  	s30 =	sand.u32 $0xFC0, s30;
	v4 =	vld.idx.msk [tilespmem:v11+s3+$0x0], $0xffff;
	v9 =	vmul.f32 v9, v9;
	v8 =	vadd.f32 v8, v7  }
0x17d: {  	v7 =	vld [tilespmem:s30+$0x1A700];
	s30 =	simm.s32 $0xC0  }
.LBB2_14:
0x17e: {  	p0 =	sne.s32 s30, $0xFC0;
	v10 =	vld.idx.msk [tilespmem:v2+s3+$0x0], $0xffff;
	s28 =	sadd.s32 $0x40, s28;
	v8 =	vadd.f32 v9, v8  }
0x17f: {  	v9 =	vld [tilespmem:s28+$0xFFFFFFE0]  }
0x180: {  	v3 =	vsub.f32 v3, v6;
	v6 =	vld.idx.msk [tilespmem:v5+s3+$0x0], $0xffff  }
0x181: {  	v11 =	vld [tilespmem:s29+$0x10]  }
0x182: {  	v1 =	vsub.f32 v4, v1;
	s29 =	sadd.s32 $0x40, s29;
	v2 =	vld [tilespmem:s28+$0xFFFFFFF0];
	v3 =	vmul.f32 v3, v3  }
0x183: {  	v12 =	vld [tilespmem:s29+$0x0]  }
0x184: {  	v0 =	vsub.f32 v10, v0;
	v5 =	vld [tilespmem:s28+$0x0];
	v4 =	vadd.f32 v3, v8;
	v8 =	vmul.f32 v1, v1  }
.Ltmp6:
0x185: {  	v1 =	vld [tilespmem:s29+$0xFFFFFFF0];
	(pc) =	sbr.rel @p0 .LBB2_14-.Ltmp6, $4  }
0x186: {  	v13 =	vmul.f32 v0, v0;
	v3 =	vld.idx.msk [tilespmem:v7+s3+$0x0], $0xffff;
	v7 =	vadd.f32 v8, v4;
	v10 =	vsub.f32 v6, v11  }
0x187: {  	v6 =	vld [tilespmem:s29+$0xFFFFFFE0]  }
0x188: {  	s31 =	sand.u32 $0xFC0, s30;
	v4 =	vld.idx.msk [tilespmem:v9+s3+$0x0], $0xffff;
	v8 =	vadd.f32 v13, v7;
	v9 =	vmul.f32 v10, v10;
	v0 =	vmov v12  }
0x189: {  	s30 =	sadd.s32 $0x40, s30;
	v7 =	vld [tilespmem:s31+$0x1A700]  }
0x18a: {  	_ =	sdelay $0x3  }
0x18b: {  	v2 =	vld.idx.msk [tilespmem:v2+s3+$0x0], $0xffff  }
0x18c: {  	v5 =	vld.idx.msk [tilespmem:v5+s3+$0x0], $0xffff  }
0x18d: {  	s28 =	sadd.s32 $0x40, s28;
	v13 =	vld [tilespmem:s29+$0x10]  }
0x18e: {  	v10 =	vld [tilespmem:s28+$0xFFFFFFE0]  }
0x18f: {  	v11 =	vld [tilespmem:s28+$0xFFFFFFF0]  }
0x190: {  	v12 =	vld [tilespmem:s28+$0x0];
	s28 =	sadd.s32 $0x40, s29  }
0x191: {  	v14 =	vld [tilespmem:s28+$0x0]  }
0x192: {  	v15 =	vld [tilespmem:s28+$0xFFFFFFF0]  }
0x193: {  	v16 =	vld [tilespmem:s28+$0xFFFFFFE0]  }
0x194: {  	v17 =	vld [tilespmem:s28+$0x10]  }
0x195: {  	v7 =	vld.idx.msk [tilespmem:v7+s3+$0x0], $0xffff  }
0x196: {  	v10 =	vld.idx.msk [tilespmem:v10+s3+$0x0], $0xffff  }
0x197: {  	v11 =	vld.idx.msk [tilespmem:v11+s3+$0x0], $0xffff  }
0x198: {  	v3 =	vsub.f32 v3, v6;
	v12 =	vld.idx.msk [tilespmem:v12+s3+$0x0], $0xffff;
	_ =	swait.ge [sflag:s22], $0x1000  }
0x199: {  	s28 =	simm.s32 $0x0;
	[sflag:s22] =	ssyncset.done $0x0  }
0x19a: {  	v8 =	vadd.f32 v9, v8;
	s28 =	sand.u32 $0xFC0, s28;
	v1 =	vsub.f32 v4, v1;
	v3 =	vmul.f32 v3, v3;
	[sflag:s22] =	ssyncadd.s32 $0xFFFFF000  }
0x19b: {  	v6 =	vld [tilespmem:s28+$0x1B700]  }
0x19c: {  	v1 =	vmul.f32 v1, v1;
	v0 =	vsub.f32 v2, v0;
	v3 =	vadd.f32 v3, v8;
	s28 =	simm.s32 $0x1B730  }
0x19d: {  	v4 =	vld [tilespmem:s28+$0xFFFFFFE0]  }
0x19e: {  	s29 =	simm.s32 $0x1D720;
	v0 =	vmul.f32 v0, v0;
	v1 =	vadd.f32 v1, v3;
	v3 =	vsub.f32 v5, v13;
	v2 =	vld [tilespmem:s28+$0xFFFFFFF0]  }
0x19f: {  	v5 =	vld [tilespmem:s29+$0x0]  }
0x1a0: {  	v0 =	vadd.f32 v0, v1;
	v1 =	vmul.f32 v3, v3;
	v3 =	vsub.f32 v7, v16;
	v8 =	vld [tilespmem:s28+$0x0]  }
0x1a1: {  	v7 =	vld [tilespmem:s29+$0xFFFFFFF0]  }
0x1a2: {  	v0 =	vadd.f32 v1, v0;
	v1 =	vmul.f32 v3, v3;
	v9 =	vld [tilespmem:s29+$0xFFFFFFE0];
	s28 =	simm.s32 $0x40;
	v3 =	vsub.f32 v10, v15  }
0x1a3: {  	s28 =	sand.u32 $0xFC0, s28;
	v6 =	vld.idx.msk [tilespmem:v6+s3+$0x0], $0xffff  }
0x1a4: {  	v0 =	vadd.f32 v1, v0;
	v10 =	vld [tilespmem:s28+$0x1B700];
	v1 =	vmul.f32 v3, v3;
	v3 =	vsub.f32 v11, v14  }
0x1a5: {  	v4 =	vld.idx.msk [tilespmem:v4+s3+$0x0], $0xffff  }
0x1a6: {  	s28 =	simm.s32 $0x1B770;
	v0 =	vadd.f32 v1, v0;
	v1 =	vmul.f32 v3, v3;
	v11 =	vld.idx.msk [tilespmem:v2+s3+$0x0], $0xffff;
	v2 =	vsub.f32 v12, v17  }
0x1a7: {  	v63 =	vld [tilespmem:s28+$0xFFFFFFE0]  }
0x1a8: {  	v0 =	vadd.f32 v1, v0;
	v8 =	vld.idx.msk [tilespmem:v8+s3+$0x0], $0xffff;
	v1 =	vmul.f32 v2, v2;
	v3 =	vsub.f32 v6, v9  }
0x1a9: {  	v6 =	vld [tilespmem:s29+$0x10]  }
0x1aa: {  	v2 =	vld [tilespmem:s28+$0xFFFFFFF0];
	s29 =	simm.s32 $0x1D760;
	v1 =	vadd.f32 v1, v0;
	v4 =	vsub.f32 v4, v7;
	v9 =	vmul.f32 v3, v3  }
0x1ab: {  	v0 =	vld [tilespmem:s29+$0x0]  }
0x1ac: {  	v3 =	vld [tilespmem:s28+$0x0];
	v4 =	vmul.f32 v4, v4;
	v7 =	vadd.f32 v9, v1;
	v9 =	vsub.f32 v11, v5  }
0x1ad: {  	v1 =	vld [tilespmem:s29+$0xFFFFFFF0]  }
0x1ae: {  	v5 =	vld.idx.msk [tilespmem:v10+s3+$0x0], $0xffff;
	v10 =	vsub.f32 v8, v6;
	v4 =	vadd.f32 v4, v7;
	v9 =	vmul.f32 v9, v9  }
0x1af: {  	s30 =	simm.s32 $0x80;
	v7 =	vld [tilespmem:s29+$0xFFFFFFE0]  }
0x1b0: {  	s30 =	sand.u32 $0xFC0, s30;
	v6 =	vld.idx.msk [tilespmem:v63+s3+$0x0], $0xffff;
	v8 =	vadd.f32 v9, v4;
	v9 =	vmul.f32 v10, v10  }
0x1b1: {  	v4 =	vld [tilespmem:s30+$0x1B700];
	s30 =	simm.s32 $0xC0  }
.LBB2_16:
0x1b2: {  	p0 =	sne.s32 s30, $0xFC0;
	v10 =	vld.idx.msk [tilespmem:v2+s3+$0x0], $0xffff;
	s28 =	sadd.s32 $0x40, s28;
	v8 =	vadd.f32 v9, v8  }
0x1b3: {  	v9 =	vld [tilespmem:s28+$0xFFFFFFE0]  }
0x1b4: {  	v5 =	vsub.f32 v5, v7;
	v7 =	vld.idx.msk [tilespmem:v3+s3+$0x0], $0xffff  }
0x1b5: {  	v11 =	vld [tilespmem:s29+$0x10]  }
0x1b6: {  	v1 =	vsub.f32 v6, v1;
	s29 =	sadd.s32 $0x40, s29;
	v2 =	vld [tilespmem:s28+$0xFFFFFFF0];
	v5 =	vmul.f32 v5, v5  }
0x1b7: {  	v12 =	vld [tilespmem:s29+$0x0]  }
0x1b8: {  	v0 =	vsub.f32 v10, v0;
	v3 =	vld [tilespmem:s28+$0x0];
	v6 =	vadd.f32 v5, v8;
	v8 =	vmul.f32 v1, v1  }
.Ltmp7:
0x1b9: {  	v1 =	vld [tilespmem:s29+$0xFFFFFFF0];
	(pc) =	sbr.rel @p0 .LBB2_16-.Ltmp7, $4  }
0x1ba: {  	v13 =	vmul.f32 v0, v0;
	v5 =	vld.idx.msk [tilespmem:v4+s3+$0x0], $0xffff;
	v4 =	vadd.f32 v8, v6;
	v10 =	vsub.f32 v7, v11  }
0x1bb: {  	v7 =	vld [tilespmem:s29+$0xFFFFFFE0]  }
0x1bc: {  	s31 =	sand.u32 $0xFC0, s30;
	v6 =	vld.idx.msk [tilespmem:v9+s3+$0x0], $0xffff;
	v8 =	vadd.f32 v13, v4;
	v9 =	vmul.f32 v10, v10;
	v0 =	vmov v12  }
0x1bd: {  	s30 =	sadd.s32 $0x40, s30;
	v4 =	vld [tilespmem:s31+$0x1B700]  }
0x1be: {  	_ =	sdelay $0x3  }
0x1bf: {  	v2 =	vld.idx.msk [tilespmem:v2+s3+$0x0], $0xffff;
	s28 =	sadd.s32 $0x40, s28  }
0x1c0: {  	v10 =	vld [tilespmem:s28+$0xFFFFFFE0]  }
0x1c1: {  	v3 =	vld.idx.msk [tilespmem:v3+s3+$0x0], $0xffff  }
0x1c2: {  	v11 =	vld [tilespmem:s28+$0xFFFFFFF0]  }
0x1c3: {  	v12 =	vld [tilespmem:s29+$0x10];
	v5 =	vsub.f32 v5, v7  }
0x1c4: {  	s31 =	sadd.s32 $0x40, s29;
	v48 =	vld [tilespmem:s28+$0x0]  }
0x1c5: {  	v8 =	vadd.f32 v9, v8;
	v49 =	vld [tilespmem:s31+$0xFFFFFFE0];
	v1 =	vsub.f32 v6, v1;
	v5 =	vmul.f32 v5, v5  }
0x1c6: {  	v4 =	vld.idx.msk [tilespmem:v4+s3+$0x0], $0xffff  }
0x1c7: {  	v50 =	vld [tilespmem:s31+$0xFFFFFFF0];
	v1 =	vmul.f32 v1, v1;
	v0 =	vsub.f32 v2, v0;
	v5 =	vadd.f32 v5, v8  }
0x1c8: {  	v51 =	vld.idx.msk [tilespmem:v10+s3+$0x0], $0xffff  }
0x1c9: {  	v52 =	vld [tilespmem:s31+$0x0];
	v3 =	vsub.f32 v3, v12;
	v0 =	vmul.f32 v0, v0;
	v1 =	vadd.f32 v1, v5  }
0x1ca: {  	v53 =	vld.idx.msk [tilespmem:v11+s3+$0x0], $0xffff  }
0x1cb: {  	v57 =	vld [tilespmem:s31+$0x10];
	v54 =	vmul.f32 v3, v3;
	v55 =	vsub.f32 v4, v49;
	v0 =	vadd.f32 v0, v1  }
0x1cc: {  	v56 =	vld.idx.msk [tilespmem:v48+s3+$0x0], $0xffff  }
0x1cd: {  	v58 =	vmul.f32 v55, v55;
	v0 =	vadd.f32 v54, v0;
	v2 =	vsub.f32 v51, v50;
	_ =	sdelay $0x1  }
0x1ce: {  	v0 =	vadd.f32 v58, v0;
	v60 =	vsub.f32 v53, v52;
	v59 =	vmul.f32 v2, v2;
	_ =	sdelay $0x1  }
0x1cf: {  	v62 =	vsub.f32 v56, v57;
	v61 =	vmul.f32 v60, v60;
	v0 =	vadd.f32 v59, v0;
	_ =	sdelay $0x1  }
0x1d0: {  	v63 =	vmul.f32 v62, v62;
	v0 =	vadd.f32 v61, v0;
	_ =	sdelay $0x1  }
0x1d1: {  	s26 =	sadd.s32 $0x1, s26;
	v0 =	vadd.f32 v63, v0  }
0x1d2: {  	p0 =	sne.s32 s26, s15  }
.Ltmp8:
0x1d3: {  	[tilespmem:$0x1E700] =	vst v0;
	(pc) =	sbr.rel @p0 .LBB2_1-.Ltmp8, $4  }
0x1d4: {  	[hbm4b:s14+s3] =	stream.linear.scatter [tilespmem:s24], [sflag:$0x4], $0x80, $0x38;
	[tilespmem:$0x1E780] =	vst v63  }
0x1d5: {  	_ =	swait.ge [sflag:s25], $0x80  }
0x1d6: {  	[sflag:s25] =	ssyncset.done $0x0  }
0x1d7: {  	[sflag:s25] =	ssyncadd.s32 $0xFFFFFF80  }
0x1d8: {  	_ =	sfence.sel $0x180000  }
0x1d9: {  	[bflag:$0x0] =	sbarrier.arrive $0xFFFF  }
0x1da: {  	p0 =	sne.s32 s2, $0x0;
	_ =	strace $0x90000047  }
0x1db: {  	s0 =	sadd.s32 @!p0 $0x100000, s0;
	[bflag:$0x2] =	sbarrier.arrive $0xFFFF  }
0x1dc: {  	[sflag:s0] =	ssyncadd.tile.s32 @!p0 $0x1;
	_ =	shalt  }
.Lfunc_end2:
_tile_overlayer_lowered:
.L_overlay_start_2:
0x1dd: {  	(tag) =	ssettag $0x2  }
0x1de: {  	s0 =	rddreg [dreg:$0x0];
	s2 =	stileid.u32  }
0x1df: {  	s1 =	rddreg [dreg:$0x1];
	p0 =	sne.s32 s2, $0x0  }
0x1e0: {  	s3 =	rddreg [dreg:$0x2];
	[bflag:$0x3] =	sbarrier.arrive $0xFFFF;
	s2 =	simm.s32 @!p0 $0x1C04  }
0x1e1: {  	[timem:s3], [sflag:s2] =	dma.local @!p0 [hbm:s0], s1  }
0x1e2: {  	s0 =	simm.s32 @!p0 $0x4  }
0x1e3: {  	_ =	swait.ge @!p0 [sflag:s0], s1  }
0x1e4: {  	s1 =	ssub.s32 @!p0 $0x0, s1;
	[sflag:s0] =	ssyncset.done @!p0 $0x0  }
0x1e5: {  	[sflag:s0] =	ssyncadd.s32 @!p0 s1  }
0x1e6: {  	[bflag:$0x3] =	sbarrier.arrive $0xFFFF  }
0x1e7: {  	_ =	shalt  }

</sc_bundles>
